<compile_context>
chip_gen: v7x
topology: tpu7x:2x2x1
jax: 0.10.2.dev20260603
libtpu: 0.0.44.dev20260713+nightly
codegen_flags: <defaults>
</compile_context>

<pallas_src>
import functools

import jax
import jax.numpy as jnp
from jax import lax
from jax.experimental import pallas as pl
from jax.experimental.pallas import tpu as pltpu
from jax.experimental.pallas import tpu_sc as plsc

_B, _N, _DE = 8, 576, 384
_H, _K, _DIM, _DM = 2, 8192, 32, 32
_BN = _B * _N
_NW = 32
_TPW = _BN // _NW
_OUTW = _TPW * _DM


def _sc_gather_body(vals_hbm, idx_hbm, out_hbm, idxv, rows, outv, sem):
    c = lax.axis_index("c")
    s = lax.axis_index("s")
    w = s * 2 + c
    tb = w * _TPW
    pltpu.sync_copy(idx_hbm.at[pl.ds(tb, _TPW)], idxv.at[pl.ds(0, _TPW)])
    pltpu.sync_copy(idx_hbm.at[pl.ds(_BN + tb, _TPW)],
                    idxv.at[pl.ds(_TPW, _TPW)])
    cps = []
    for ch in range(4):
        cps.append(pltpu.async_copy(
            vals_hbm.at[idxv.at[pl.ds(ch * 72, 72)]],
            rows.at[pl.ds(ch * 72, 72)], sem))
    for cp in cps:
        cp.wait()

    def body(t, carry):
        for j in range(2):
            v0 = rows[t, pl.ds(j * 16, 16)]
            v1 = rows[_TPW + t, pl.ds(j * 16, 16)]
            outv[pl.ds(t * _DM + j * 16, 16)] = (v0 + v1) * 0.5
        return carry


    lax.fori_loop(0, _TPW, body, 0)
    pltpu.sync_copy(outv, out_hbm.at[pl.ds(w * _OUTW, _OUTW)])


@functools.partial(
    pl.kernel,
    out_type=jax.ShapeDtypeStruct((_BN * _DM,), jnp.float32),
    mesh=plsc.VectorSubcoreMesh(core_axis_name="c", subcore_axis_name="s"),
    scratch_types=[
        pltpu.VMEM((2 * _TPW,), jnp.int32),
        pltpu.VMEM((2 * _TPW, 128), jnp.float32),
        pltpu.VMEM((_OUTW,), jnp.float32),
        pltpu.SemaphoreType.DMA,
    ],
)
def _sc_gather(vals_hbm, idx_hbm, out_hbm, idxv, rows, outv, sem):
    _sc_gather_body(vals_hbm, idx_hbm, out_hbm, idxv, rows, outv, sem)


_NT = 512
_GRID = _BN // _NT
_KC = 2048
_NKC = _K // _KC


def _tc_body(x_ref, rp_ref, cb_ref, out_ref, cb2_ref, cc_ref):
    @pl.when(pl.program_id(0) == 0)
    def _init():
        for h in range(_H):
            cbh = cb_ref[h]
            cb2_ref[h] = cbh * 2.0
            cc_ref[h] = jnp.sum(cbh * cbh, axis=1)

    xt = x_ref[...]
    rp = rp_ref[...].astype(jnp.bfloat16)
    xp = lax.dot_general(xt, rp, (((1,), (0,)), ((), ())),
                         preferred_element_type=jnp.float32)
    lane = lax.broadcasted_iota(jnp.int32, (_NT, 128), 1)
    for h in range(_H):
        xph = xp[:, h * _DIM:(h + 1) * _DIM]
        xpb = xph.astype(jnp.bfloat16)
        a = jnp.sum(xph * xph, axis=1)
        ab = a[:, None]
        m_r = jnp.full((_NT, 128), jnp.inf, dtype=jnp.float32)
        i_r = jnp.zeros((_NT, 128), dtype=jnp.int32)
        for c in range(_NKC):
            cc = cc_ref[h, c * _KC:(c + 1) * _KC]
            s2 = lax.dot_general(xpb,
                                 cb2_ref[h, c * _KC:(c + 1) * _KC, :],
                                 (((1,), (1,)), ((), ())),
                                 preferred_element_type=jnp.float32)
            d2 = (ab - s2) + cc[None, :]
            for sc in range(_KC // 128):
                d2s = d2[:, sc * 128:(sc + 1) * 128]
                lt = d2s < m_r
                m_r = jnp.where(lt, d2s, m_r)
                i_r = jnp.where(lt, c * (_KC // 128) + sc, i_r)
        m = jnp.min(m_r, axis=1)
        gi = i_r * 128 + lane
        idx = jnp.min(jnp.where(m_r == m[:, None], gi, 2 * _K), axis=1)
        out_ref[0, h] = idx + h * _K


def _tc_argmin(x2, rp2, cb):
    return pl.pallas_call(
        _tc_body,
        grid=(_GRID,),
        in_specs=[
            pl.BlockSpec((_NT, _DE), lambda i: (i, 0)),
            pl.BlockSpec((_DE, _H * _DIM), lambda i: (0, 0)),
            pl.BlockSpec((_H, _K, _DIM), lambda i: (0, 0, 0)),
        ],
        out_specs=pl.BlockSpec((1, _H, _NT), lambda i: (i, 0, 0)),
        out_shape=jax.ShapeDtypeStruct((_GRID, _H, _NT), jnp.int32),
        scratch_shapes=[
            pltpu.VMEM((_H, _K, _DIM), jnp.float32),
            pltpu.VMEM((_H, _K), jnp.float32),
        ],
    )(x2, rp2, cb)


def kernel(x, rand_proj, values, codebook):
    x2 = x.reshape(_BN, _DE)
    rp2 = rand_proj.transpose(1, 0, 2).reshape(_DE, _H * _DIM)
    idx = _tc_argmin(x2, rp2, codebook)
    idx_comb = idx.transpose(1, 0, 2).reshape(_H * _BN)
    vals_flat = jnp.pad(values.reshape(_H * _K, _DM),
                        ((0, 0), (0, 128 - _DM)))
    out = _sc_gather(vals_flat, idx_comb)
    return out.reshape(_B, _N, _DM)

# --- scband reference (transcript-rebuilt; emitter-appended) ---
"""Pipeline reference for scband-discrete-key-value-bottleneck-9723805958781 (READ-ONLY COPY).

The authoritative reference and input builder live on the scoring server;
editing this copy changes nothing except your own understanding.
"""

import jax, jax.numpy as jnp
import numpy as np

B, N, DIM_EMBED = 8, 576, 384
DIM = 32
HEADS = 2
K = 8192
DIM_MEM = 32


def setup_inputs(seed: int = 0) -> dict:
    key = jax.random.key(seed)
    k1, k2, k3, k4 = jax.random.split(key, 4)
    x = jax.random.normal(k1, (B, N, DIM_EMBED), dtype=jnp.float32)
    # xavier_normal_ on (HEADS, DIM_EMBED, DIM): fan_in=DIM_EMBED, fan_out=DIM
    std = (2.0 / (DIM_EMBED + DIM)) ** 0.5
    rand_proj = jax.random.normal(k2, (HEADS, DIM_EMBED, DIM), dtype=jnp.float32) * std
    values = jax.random.normal(k3, (HEADS, K, DIM_MEM), dtype=jnp.float32)
    codebook = jax.random.normal(k4, (HEADS, K, DIM), dtype=jnp.float32)
    return {"x": x, "rand_proj": rand_proj, "values": values, "codebook": codebook}


def reference(x, rand_proj, values, codebook):
    # project encodings into per-codebook spaces: b n d, h d e -> b n h e
    xp = jnp.einsum('bnd,hde->bnhe', x, rand_proj)
    # VectorQuantize with heads=HEADS, separate_codebook_per_head=True
    # euclidean distance to each head's codebook
    d2 = (jnp.sum(xp * xp, axis=-1, keepdims=True)
          - 2.0 * jnp.einsum('bnhe,hke->bnhk', xp, codebook)
          + jnp.sum(codebook * codebook, axis=-1)[None, None, :, :])
    idx = jnp.argmin(d2, axis=-1)  # [b, n, h]
    h_idx = jnp.arange(HEADS)
    quantized = codebook[h_idx[None, None, :], idx]  # [b, n, h, e]
    # straight-through (affects grads only)
    quantized = xp + jax.lax.stop_gradient(quantized - xp)
    commit_loss = jnp.mean((jax.lax.stop_gradient(quantized) - xp) ** 2)
    # gather memory values per head, then average pool over heads
    mem = values[h_idx[None, None, :], idx]  # [b, n, h, dim_memory]
    memories = jnp.mean(mem, axis=2)  # [b, n, dim_memory]
    return memories

if __name__ == "__main__":
    import jax
    _d = setup_inputs()
    print(jax.jit(kernel)(*tuple(_d.values())))

</pallas_src>

<mosaic_0001>
#map = affine_map<(d0, d1) -> (0, 0)>
#map1 = affine_map<(d0, d1) -> (0)>
module attributes {stable_mosaic.version = 14 : i64} {
  func.func @_sc_gather(%arg0: i32, %arg1: i32, %arg2: memref<16384x128xf32, #tpu.memory_space<hbm>>, %arg3: memref<9216xi32, #tpu.memory_space<hbm>>, %arg4: memref<147456xf32, #tpu.memory_space<hbm>>, %arg5: memref<288xi32, #tpu.memory_space<vmem>>, %arg6: memref<288x128xf32, #tpu.memory_space<vmem>>, %arg7: memref<4608xf32, #tpu.memory_space<vmem>>, %arg8: memref<!tpu.dma_semaphore, #tpu.memory_space<semaphore_mem>>) attributes {dimension_semantics = [#tpu.dimension_semantics<core_parallel>, #tpu.dimension_semantics<subcore_parallel>], iteration_bounds = array<i64: 2, 16>, scalar_prefetch = 0 : i64, scratch_operands = 4 : i64, tpu.core_type = #tpu.core_type<sc_vector_subcore>, window_params = [{transform_indices = #map}, {transform_indices = #map1}, {transform_indices = #map1}]} {
    %mul3A = arith.constant 2 : i32
    %mul3A_0 = arith.muli %arg1, %mul3A : i32
    %add3A = arith.addi %mul3A_0, %arg0 : i32
    %mul3A_1 = arith.constant 144 : i32
    %mul3A_2 = arith.muli %add3A, %mul3A_1 : i32
    "tpu.region"() ({
      %run_scoped3A = tpu.sem_alloc : memref<!tpu.dma_semaphore, #tpu.memory_space<semaphore_mem>>
      %dma_start3A_74 = arith.constant 0 : i32
      %dma_start3A_75 = tpu.memref_slice %arg5[%dma_start3A_74] : memref<288xi32, #tpu.memory_space<vmem>> -> memref<144xi32, #tpu.memory_space<vmem>>
      %dma_start3A_76 = tpu.memref_slice %arg3[%mul3A_2] : memref<9216xi32, #tpu.memory_space<hbm>> -> memref<144xi32, #tpu.memory_space<hbm>>
      %dma_start3A_77 = arith.constant 0 : i32
      %dma_start3A_78 = tpu.memref_slice %arg5[%dma_start3A_77] : memref<288xi32, #tpu.memory_space<vmem>> -> memref<144xi32, #tpu.memory_space<vmem>>
      %dma_start3A_79 = tpu.memref_slice %arg3[%mul3A_2] : memref<9216xi32, #tpu.memory_space<hbm>> -> memref<144xi32, #tpu.memory_space<hbm>>
      tpu.enqueue_dma source(%dma_start3A_79 : memref<144xi32, #tpu.memory_space<hbm>>) target(%dma_start3A_78 : memref<144xi32, #tpu.memory_space<vmem>>) target_semaphore(%run_scoped3A : memref<!tpu.dma_semaphore, #tpu.memory_space<semaphore_mem>>)
      %dma_wait3A_80 = arith.constant 0 : i32
      %dma_wait3A_81 = tpu.memref_slice %arg5[%dma_wait3A_80] : memref<288xi32, #tpu.memory_space<vmem>> -> memref<144xi32, #tpu.memory_space<vmem>>
      %dma_wait3A_82 = tpu.memref_slice %arg3[%mul3A_2] : memref<9216xi32, #tpu.memory_space<hbm>> -> memref<144xi32, #tpu.memory_space<hbm>>
      %dma_wait3A_83 = arith.constant 0 : i32
      %dma_wait3A_84 = tpu.memref_slice %arg5[%dma_wait3A_83] : memref<288xi32, #tpu.memory_space<vmem>> -> memref<144xi32, #tpu.memory_space<vmem>>
      %dma_wait3A_85 = tpu.memref_slice %arg3[%mul3A_2] : memref<9216xi32, #tpu.memory_space<hbm>> -> memref<144xi32, #tpu.memory_space<hbm>>
      tpu.wait_dma2 semaphore(%run_scoped3A : memref<!tpu.dma_semaphore, #tpu.memory_space<semaphore_mem>>) src(%dma_wait3A_85 : memref<144xi32, #tpu.memory_space<hbm>>) dst(%dma_wait3A_84 : memref<144xi32, #tpu.memory_space<vmem>>)
      tpu.yield
    }) : () -> ()
    %add3A_3 = arith.constant 4608 : i32
    %add3A_4 = arith.addi %add3A_3, %mul3A_2 : i32
    "tpu.region"() ({
      %run_scoped3A = tpu.sem_alloc : memref<!tpu.dma_semaphore, #tpu.memory_space<semaphore_mem>>
      %dma_start3A_74 = arith.constant 144 : i32
      %dma_start3A_75 = tpu.memref_slice %arg5[%dma_start3A_74] : memref<288xi32, #tpu.memory_space<vmem>> -> memref<144xi32, #tpu.memory_space<vmem>>
      %dma_start3A_76 = tpu.memref_slice %arg3[%add3A_4] : memref<9216xi32, #tpu.memory_space<hbm>> -> memref<144xi32, #tpu.memory_space<hbm>>
      %dma_start3A_77 = arith.constant 144 : i32
      %dma_start3A_78 = tpu.memref_slice %arg5[%dma_start3A_77] : memref<288xi32, #tpu.memory_space<vmem>> -> memref<144xi32, #tpu.memory_space<vmem>>
      %dma_start3A_79 = tpu.memref_slice %arg3[%add3A_4] : memref<9216xi32, #tpu.memory_space<hbm>> -> memref<144xi32, #tpu.memory_space<hbm>>
      tpu.enqueue_dma source(%dma_start3A_79 : memref<144xi32, #tpu.memory_space<hbm>>) target(%dma_start3A_78 : memref<144xi32, #tpu.memory_space<vmem>>) target_semaphore(%run_scoped3A : memref<!tpu.dma_semaphore, #tpu.memory_space<semaphore_mem>>)
      %dma_wait3A_80 = arith.constant 144 : i32
      %dma_wait3A_81 = tpu.memref_slice %arg5[%dma_wait3A_80] : memref<288xi32, #tpu.memory_space<vmem>> -> memref<144xi32, #tpu.memory_space<vmem>>
      %dma_wait3A_82 = tpu.memref_slice %arg3[%add3A_4] : memref<9216xi32, #tpu.memory_space<hbm>> -> memref<144xi32, #tpu.memory_space<hbm>>
      %dma_wait3A_83 = arith.constant 144 : i32
      %dma_wait3A_84 = tpu.memref_slice %arg5[%dma_wait3A_83] : memref<288xi32, #tpu.memory_space<vmem>> -> memref<144xi32, #tpu.memory_space<vmem>>
      %dma_wait3A_85 = tpu.memref_slice %arg3[%add3A_4] : memref<9216xi32, #tpu.memory_space<hbm>> -> memref<144xi32, #tpu.memory_space<hbm>>
      tpu.wait_dma2 semaphore(%run_scoped3A : memref<!tpu.dma_semaphore, #tpu.memory_space<semaphore_mem>>) src(%dma_wait3A_85 : memref<144xi32, #tpu.memory_space<hbm>>) dst(%dma_wait3A_84 : memref<144xi32, #tpu.memory_space<vmem>>)
      tpu.yield
    }) : () -> ()
    %dma_start3A = arith.constant 0 : i32
    %dma_start3A_5 = arith.constant 0 : i32
    %dma_start3A_6 = tpu.memref_slice %arg6[%dma_start3A, %dma_start3A_5] : memref<288x128xf32, #tpu.memory_space<vmem>> -> memref<72x128xf32, #tpu.memory_space<vmem>>
    %dma_start3A_7 = arith.constant 0 : i32
    %dma_start3A_8 = tpu.memref_slice %arg5[%dma_start3A_7] : memref<288xi32, #tpu.memory_space<vmem>> -> memref<72xi32, #tpu.memory_space<vmem>>
    %dma_start3A_9 = arith.constant 0 : i32
    %dma_start3A_10 = arith.constant 0 : i32
    %dma_start3A_11 = tpu.memref_slice %arg2[%dma_start3A_9, %dma_start3A_10] : memref<16384x128xf32, #tpu.memory_space<hbm>> -> memref<16384x128xf32, #tpu.memory_space<hbm>>
    tpu.enqueue_indirect_dma source(%dma_start3A_11 : memref<16384x128xf32, #tpu.memory_space<hbm>>) target(%dma_start3A_6 : memref<72x128xf32, #tpu.memory_space<vmem>>) offsets(%dma_start3A_8 : memref<72xi32, #tpu.memory_space<vmem>>) semaphore(%arg8 : memref<!tpu.dma_semaphore, #tpu.memory_space<semaphore_mem>>)
    %dma_start3A_12 = arith.constant 72 : i32
    %dma_start3A_13 = arith.constant 0 : i32
    %dma_start3A_14 = tpu.memref_slice %arg6[%dma_start3A_12, %dma_start3A_13] : memref<288x128xf32, #tpu.memory_space<vmem>> -> memref<72x128xf32, #tpu.memory_space<vmem>>
    %dma_start3A_15 = arith.constant 72 : i32
    %dma_start3A_16 = tpu.memref_slice %arg5[%dma_start3A_15] : memref<288xi32, #tpu.memory_space<vmem>> -> memref<72xi32, #tpu.memory_space<vmem>>
    %dma_start3A_17 = arith.constant 0 : i32
    %dma_start3A_18 = arith.constant 0 : i32
    %dma_start3A_19 = tpu.memref_slice %arg2[%dma_start3A_17, %dma_start3A_18] : memref<16384x128xf32, #tpu.memory_space<hbm>> -> memref<16384x128xf32, #tpu.memory_space<hbm>>
    tpu.enqueue_indirect_dma source(%dma_start3A_19 : memref<16384x128xf32, #tpu.memory_space<hbm>>) target(%dma_start3A_14 : memref<72x128xf32, #tpu.memory_space<vmem>>) offsets(%dma_start3A_16 : memref<72xi32, #tpu.memory_space<vmem>>) semaphore(%arg8 : memref<!tpu.dma_semaphore, #tpu.memory_space<semaphore_mem>>)
    %dma_start3A_20 = arith.constant 144 : i32
    %dma_start3A_21 = arith.constant 0 : i32
    %dma_start3A_22 = tpu.memref_slice %arg6[%dma_start3A_20, %dma_start3A_21] : memref<288x128xf32, #tpu.memory_space<vmem>> -> memref<72x128xf32, #tpu.memory_space<vmem>>
    %dma_start3A_23 = arith.constant 144 : i32
    %dma_start3A_24 = tpu.memref_slice %arg5[%dma_start3A_23] : memref<288xi32, #tpu.memory_space<vmem>> -> memref<72xi32, #tpu.memory_space<vmem>>
    %dma_start3A_25 = arith.constant 0 : i32
    %dma_start3A_26 = arith.constant 0 : i32
    %dma_start3A_27 = tpu.memref_slice %arg2[%dma_start3A_25, %dma_start3A_26] : memref<16384x128xf32, #tpu.memory_space<hbm>> -> memref<16384x128xf32, #tpu.memory_space<hbm>>
    tpu.enqueue_indirect_dma source(%dma_start3A_27 : memref<16384x128xf32, #tpu.memory_space<hbm>>) target(%dma_start3A_22 : memref<72x128xf32, #tpu.memory_space<vmem>>) offsets(%dma_start3A_24 : memref<72xi32, #tpu.memory_space<vmem>>) semaphore(%arg8 : memref<!tpu.dma_semaphore, #tpu.memory_space<semaphore_mem>>)
    %dma_start3A_28 = arith.constant 216 : i32
    %dma_start3A_29 = arith.constant 0 : i32
    %dma_start3A_30 = tpu.memref_slice %arg6[%dma_start3A_28, %dma_start3A_29] : memref<288x128xf32, #tpu.memory_space<vmem>> -> memref<72x128xf32, #tpu.memory_space<vmem>>
    %dma_start3A_31 = arith.constant 216 : i32
    %dma_start3A_32 = tpu.memref_slice %arg5[%dma_start3A_31] : memref<288xi32, #tpu.memory_space<vmem>> -> memref<72xi32, #tpu.memory_space<vmem>>
    %dma_start3A_33 = arith.constant 0 : i32
    %dma_start3A_34 = arith.constant 0 : i32
    %dma_start3A_35 = tpu.memref_slice %arg2[%dma_start3A_33, %dma_start3A_34] : memref<16384x128xf32, #tpu.memory_space<hbm>> -> memref<16384x128xf32, #tpu.memory_space<hbm>>
    tpu.enqueue_indirect_dma source(%dma_start3A_35 : memref<16384x128xf32, #tpu.memory_space<hbm>>) target(%dma_start3A_30 : memref<72x128xf32, #tpu.memory_space<vmem>>) offsets(%dma_start3A_32 : memref<72xi32, #tpu.memory_space<vmem>>) semaphore(%arg8 : memref<!tpu.dma_semaphore, #tpu.memory_space<semaphore_mem>>)
    %dma_wait3A = arith.constant 0 : i32
    %dma_wait3A_36 = arith.constant 0 : i32
    %dma_wait3A_37 = tpu.memref_slice %arg6[%dma_wait3A, %dma_wait3A_36] : memref<288x128xf32, #tpu.memory_space<vmem>> -> memref<72x128xf32, #tpu.memory_space<vmem>>
    %dma_wait3A_38 = arith.constant 0 : i32
    %dma_wait3A_39 = tpu.memref_slice %arg5[%dma_wait3A_38] : memref<288xi32, #tpu.memory_space<vmem>> -> memref<72xi32, #tpu.memory_space<vmem>>
    %dma_wait3A_40 = arith.constant 0 : i32
    %dma_wait3A_41 = arith.constant 0 : i32
    %dma_wait3A_42 = tpu.memref_slice %arg2[%dma_wait3A_40, %dma_wait3A_41] : memref<16384x128xf32, #tpu.memory_space<hbm>> -> memref<16384x128xf32, #tpu.memory_space<hbm>>
    tpu.wait_indirect_dma semaphore(%arg8 : memref<!tpu.dma_semaphore, #tpu.memory_space<semaphore_mem>>) src(%dma_wait3A_42 : memref<16384x128xf32, #tpu.memory_space<hbm>>) dst(%dma_wait3A_37 : memref<72x128xf32, #tpu.memory_space<vmem>>)
    %dma_wait3A_43 = arith.constant 72 : i32
    %dma_wait3A_44 = arith.constant 0 : i32
    %dma_wait3A_45 = tpu.memref_slice %arg6[%dma_wait3A_43, %dma_wait3A_44] : memref<288x128xf32, #tpu.memory_space<vmem>> -> memref<72x128xf32, #tpu.memory_space<vmem>>
    %dma_wait3A_46 = arith.constant 72 : i32
    %dma_wait3A_47 = tpu.memref_slice %arg5[%dma_wait3A_46] : memref<288xi32, #tpu.memory_space<vmem>> -> memref<72xi32, #tpu.memory_space<vmem>>
    %dma_wait3A_48 = arith.constant 0 : i32
    %dma_wait3A_49 = arith.constant 0 : i32
    %dma_wait3A_50 = tpu.memref_slice %arg2[%dma_wait3A_48, %dma_wait3A_49] : memref<16384x128xf32, #tpu.memory_space<hbm>> -> memref<16384x128xf32, #tpu.memory_space<hbm>>
    tpu.wait_indirect_dma semaphore(%arg8 : memref<!tpu.dma_semaphore, #tpu.memory_space<semaphore_mem>>) src(%dma_wait3A_50 : memref<16384x128xf32, #tpu.memory_space<hbm>>) dst(%dma_wait3A_45 : memref<72x128xf32, #tpu.memory_space<vmem>>)
    %dma_wait3A_51 = arith.constant 144 : i32
    %dma_wait3A_52 = arith.constant 0 : i32
    %dma_wait3A_53 = tpu.memref_slice %arg6[%dma_wait3A_51, %dma_wait3A_52] : memref<288x128xf32, #tpu.memory_space<vmem>> -> memref<72x128xf32, #tpu.memory_space<vmem>>
    %dma_wait3A_54 = arith.constant 144 : i32
    %dma_wait3A_55 = tpu.memref_slice %arg5[%dma_wait3A_54] : memref<288xi32, #tpu.memory_space<vmem>> -> memref<72xi32, #tpu.memory_space<vmem>>
    %dma_wait3A_56 = arith.constant 0 : i32
    %dma_wait3A_57 = arith.constant 0 : i32
    %dma_wait3A_58 = tpu.memref_slice %arg2[%dma_wait3A_56, %dma_wait3A_57] : memref<16384x128xf32, #tpu.memory_space<hbm>> -> memref<16384x128xf32, #tpu.memory_space<hbm>>
    tpu.wait_indirect_dma semaphore(%arg8 : memref<!tpu.dma_semaphore, #tpu.memory_space<semaphore_mem>>) src(%dma_wait3A_58 : memref<16384x128xf32, #tpu.memory_space<hbm>>) dst(%dma_wait3A_53 : memref<72x128xf32, #tpu.memory_space<vmem>>)
    %dma_wait3A_59 = arith.constant 216 : i32
    %dma_wait3A_60 = arith.constant 0 : i32
    %dma_wait3A_61 = tpu.memref_slice %arg6[%dma_wait3A_59, %dma_wait3A_60] : memref<288x128xf32, #tpu.memory_space<vmem>> -> memref<72x128xf32, #tpu.memory_space<vmem>>
    %dma_wait3A_62 = arith.constant 216 : i32
    %dma_wait3A_63 = tpu.memref_slice %arg5[%dma_wait3A_62] : memref<288xi32, #tpu.memory_space<vmem>> -> memref<72xi32, #tpu.memory_space<vmem>>
    %dma_wait3A_64 = arith.constant 0 : i32
    %dma_wait3A_65 = arith.constant 0 : i32
    %dma_wait3A_66 = tpu.memref_slice %arg2[%dma_wait3A_64, %dma_wait3A_65] : memref<16384x128xf32, #tpu.memory_space<hbm>> -> memref<16384x128xf32, #tpu.memory_space<hbm>>
    tpu.wait_indirect_dma semaphore(%arg8 : memref<!tpu.dma_semaphore, #tpu.memory_space<semaphore_mem>>) src(%dma_wait3A_66 : memref<16384x128xf32, #tpu.memory_space<hbm>>) dst(%dma_wait3A_61 : memref<72x128xf32, #tpu.memory_space<vmem>>)
    %scan3A = arith.constant 0 : i32
    %scan3A_67 = arith.constant 0 : i32
    %scan3A_68 = arith.constant 144 : i32
    %scan3A_69 = arith.addi %scan3A_67, %scan3A_68 : i32
    %scan3A_70 = arith.constant 1 : i32
    scf.for %scan3A_74 = %scan3A_67 to %scan3A_69 step %scan3A_70  : i32 {
      %get3A = arith.index_cast %scan3A_74 : i32 to index
      %get3A_75 = arith.constant 0 : index
      %get3A_76 = tpu.vector_load %arg6[%get3A, %get3A_75] {strides = array<i32>} : memref<288x128xf32, #tpu.memory_space<vmem>>, vector<1x16xf32>,
      %get3A_77 = vector.shape_cast %get3A_76 : vector<1x16xf32> to vector<16xf32>
      %add3A_78 = arith.constant 144 : i32
      %add3A_79 = arith.addi %add3A_78, %scan3A_74 : i32
      %get3A_80 = arith.index_cast %add3A_79 : i32 to index
      %get3A_81 = arith.constant 0 : index
      %get3A_82 = tpu.vector_load %arg6[%get3A_80, %get3A_81] {strides = array<i32>} : memref<288x128xf32, #tpu.memory_space<vmem>>, vector<1x16xf32>,
      %get3A_83 = vector.shape_cast %get3A_82 : vector<1x16xf32> to vector<16xf32>
      %add3A_84 = arith.addf %get3A_77, %get3A_83 : vector<16xf32>
      %mul3A_85 = arith.constant 5.000000e-01 : f32
      %mul3A_86 = vector.broadcast %mul3A_85 : f32 to vector<16xf32>
      %mul3A_87 = arith.mulf %add3A_84, %mul3A_86 : vector<16xf32>
      %mul3A_88 = arith.constant 32 : i32
      %mul3A_89 = arith.muli %scan3A_74, %mul3A_88 : i32
      %add3A_90 = arith.constant 0 : i32
      %add3A_91 = arith.addi %mul3A_89, %add3A_90 : i32
      %swap3A = arith.index_cast %add3A_91 : i32 to index
      %swap3A_92 = tpu.vector_load %arg7[%swap3A] {strides = array<i32>} : memref<4608xf32, #tpu.memory_space<vmem>>, vector<16xf32>,
      %swap3A_93 = vector.shape_cast %swap3A_92 : vector<16xf32> to vector<16xf32>
      %swap3A_94 = vector.shape_cast %mul3A_87 : vector<16xf32> to vector<16xf32>
      tpu.vector_store %arg7[%swap3A], %swap3A_94 {strides = array<i32>} : memref<4608xf32, #tpu.memory_space<vmem>>, vector<16xf32>,
      %get3A_95 = arith.index_cast %scan3A_74 : i32 to index
      %get3A_96 = arith.constant 16 : index
      %get3A_97 = tpu.vector_load %arg6[%get3A_95, %get3A_96] {strides = array<i32>} : memref<288x128xf32, #tpu.memory_space<vmem>>, vector<1x16xf32>,
      %get3A_98 = vector.shape_cast %get3A_97 : vector<1x16xf32> to vector<16xf32>
      %add3A_99 = arith.constant 144 : i32
      %add3A_100 = arith.addi %add3A_99, %scan3A_74 : i32
      %get3A_101 = arith.index_cast %add3A_100 : i32 to index
      %get3A_102 = arith.constant 16 : index
      %get3A_103 = tpu.vector_load %arg6[%get3A_101, %get3A_102] {strides = array<i32>} : memref<288x128xf32, #tpu.memory_space<vmem>>, vector<1x16xf32>,
      %get3A_104 = vector.shape_cast %get3A_103 : vector<1x16xf32> to vector<16xf32>
      %add3A_105 = arith.addf %get3A_98, %get3A_104 : vector<16xf32>
      %mul3A_106 = arith.constant 5.000000e-01 : f32
      %mul3A_107 = vector.broadcast %mul3A_106 : f32 to vector<16xf32>
      %mul3A_108 = arith.mulf %add3A_105, %mul3A_107 : vector<16xf32>
      %mul3A_109 = arith.constant 32 : i32
      %mul3A_110 = arith.muli %scan3A_74, %mul3A_109 : i32
      %add3A_111 = arith.constant 16 : i32
      %add3A_112 = arith.addi %mul3A_110, %add3A_111 : i32
      %swap3A_113 = arith.index_cast %add3A_112 : i32 to index
      %swap3A_114 = tpu.vector_load %arg7[%swap3A_113] {strides = array<i32>} : memref<4608xf32, #tpu.memory_space<vmem>>, vector<16xf32>,
      %swap3A_115 = vector.shape_cast %swap3A_114 : vector<16xf32> to vector<16xf32>
      %swap3A_116 = vector.shape_cast %mul3A_108 : vector<16xf32> to vector<16xf32>
      tpu.vector_store %arg7[%swap3A_113], %swap3A_116 {strides = array<i32>} : memref<4608xf32, #tpu.memory_space<vmem>>, vector<16xf32>,
    }
    %scan3A_71 = arith.constant 144 : i32
    %mul3A_72 = arith.constant 4608 : i32
    %mul3A_73 = arith.muli %add3A, %mul3A_72 : i32
    "tpu.region"() ({
      %run_scoped3A = tpu.sem_alloc : memref<!tpu.dma_semaphore, #tpu.memory_space<semaphore_mem>>
      %dma_start3A_74 = tpu.memref_slice %arg4[%mul3A_73] : memref<147456xf32, #tpu.memory_space<hbm>> -> memref<4608xf32, #tpu.memory_space<hbm>>
      %dma_start3A_75 = tpu.memref_slice %arg4[%mul3A_73] : memref<147456xf32, #tpu.memory_space<hbm>> -> memref<4608xf32, #tpu.memory_space<hbm>>
      tpu.enqueue_dma source(%arg7 : memref<4608xf32, #tpu.memory_space<vmem>>) target(%dma_start3A_75 : memref<4608xf32, #tpu.memory_space<hbm>>) target_semaphore(%run_scoped3A : memref<!tpu.dma_semaphore, #tpu.memory_space<semaphore_mem>>)
      %dma_wait3A_76 = tpu.memref_slice %arg4[%mul3A_73] : memref<147456xf32, #tpu.memory_space<hbm>> -> memref<4608xf32, #tpu.memory_space<hbm>>
      %dma_wait3A_77 = tpu.memref_slice %arg4[%mul3A_73] : memref<147456xf32, #tpu.memory_space<hbm>> -> memref<4608xf32, #tpu.memory_space<hbm>>
      tpu.wait_dma2 semaphore(%run_scoped3A : memref<!tpu.dma_semaphore, #tpu.memory_space<semaphore_mem>>) src(%arg7 : memref<4608xf32, #tpu.memory_space<vmem>>) dst(%dma_wait3A_77 : memref<4608xf32, #tpu.memory_space<hbm>>)
      tpu.yield
    }) : () -> ()
    return
  }
}

module attributes {stable_mosaic.version = 14 : i64} {
  func.func @_tc_body(%arg0: i32, %arg1: memref<512x384xf32, #tpu.memory_space<vmem>>, %arg2: memref<384x64xf32, #tpu.memory_space<vmem>>, %arg3: memref<2x8192x32xf32, #tpu.memory_space<vmem>>, %arg4: memref<1x2x512xi32, #tpu.memory_space<vmem>>, %arg5: memref<2x8192x32xf32, #tpu.memory_space<vmem>>, %arg6: memref<2x8192xf32, #tpu.memory_space<vmem>>) attributes {dimension_semantics = [#tpu.dimension_semantics<arbitrary>], iteration_bounds = array<i64: 9>, scalar_prefetch = 0 : i64, scratch_operands = 2 : i64, tpu.core_type = #tpu.core_type<tc>, window_params = [{transform_indices = @transform_0, window_bounds = array<i64: 512, 384>}, {pipeline_mode = #tpu.pipeline_mode<synchronous>, transform_indices = @transform_1, window_bounds = array<i64: 384, 64>}, {pipeline_mode = #tpu.pipeline_mode<synchronous>, transform_indices = @transform_2, window_bounds = array<i64: 2, 8192, 32>}, {transform_indices = @transform_3, window_bounds = array<i64: 1, 2, 512>}]} {
    %eq3A = arith.constant 0 : i32
    %eq3A_0 = arith.cmpi eq, %arg0, %eq3A : i32
    %convert_element_type3A = arith.extui %eq3A_0 : i1 to i32
    %cond3A = arith.constant 0 : i32
    %cond3A_1 = arith.cmpi ne, %convert_element_type3A, %cond3A : i32
    scf.if %cond3A_1 {
      %get3A_960 = arith.constant 0 : index
      %get3A_961 = arith.constant 0 : index
      %get3A_962 = arith.constant 0 : index
      %get3A_963 = vector.load %arg3[%get3A_960, %get3A_961, %get3A_962] : memref<2x8192x32xf32, #tpu.memory_space<vmem>>, vector<1x8192x32xf32>
      %get3A_964 = vector.shape_cast %get3A_963 : vector<1x8192x32xf32> to vector<8192x32xf32>
      %mul3A_965 = arith.constant 2.000000e+00 : f32
      %mul3A_966 = vector.broadcast %mul3A_965 : f32 to vector<8192x32xf32>
      %mul3A_967 = arith.mulf %get3A_964, %mul3A_966 : vector<8192x32xf32>
      %swap3A_968 = arith.constant 0 : index
      %swap3A_969 = arith.constant 0 : index
      %swap3A_970 = arith.constant 0 : index
      %swap3A_971 = vector.load %arg5[%swap3A_968, %swap3A_969, %swap3A_970] : memref<2x8192x32xf32, #tpu.memory_space<vmem>>, vector<1x8192x32xf32>
      %swap3A_972 = vector.shape_cast %swap3A_971 : vector<1x8192x32xf32> to vector<8192x32xf32>
      %swap3A_973 = vector.shape_cast %mul3A_967 : vector<8192x32xf32> to vector<1x8192x32xf32>
      tpu.vector_store %arg5[%swap3A_968, %swap3A_969, %swap3A_970], %swap3A_973 {strides = array<i32>} : memref<2x8192x32xf32, #tpu.memory_space<vmem>>, vector<1x8192x32xf32>,
      %mul3A_974 = arith.mulf %get3A_964, %get3A_964 : vector<8192x32xf32>
      %reduce_sum3A_975 = arith.constant dense<0.000000e+00> : vector<8192xf32>
      %reduce_sum3A_976 = vector.multi_reduction <add>, %mul3A_974, %reduce_sum3A_975 [1] : vector<8192x32xf32> to vector<8192xf32>
      %swap3A_977 = arith.constant 0 : index
      %swap3A_978 = arith.constant 0 : index
      %swap3A_979 = vector.load %arg6[%swap3A_977, %swap3A_978] : memref<2x8192xf32, #tpu.memory_space<vmem>>, vector<1x8192xf32>
      %swap3A_980 = vector.shape_cast %swap3A_979 : vector<1x8192xf32> to vector<8192xf32>
      %swap3A_981 = vector.shape_cast %reduce_sum3A_976 : vector<8192xf32> to vector<1x8192xf32>
      tpu.vector_store %arg6[%swap3A_977, %swap3A_978], %swap3A_981 {strides = array<i32>} : memref<2x8192xf32, #tpu.memory_space<vmem>>, vector<1x8192xf32>,
      %get3A_982 = arith.constant 1 : index
      %get3A_983 = arith.constant 0 : index
      %get3A_984 = arith.constant 0 : index
      %get3A_985 = vector.load %arg3[%get3A_982, %get3A_983, %get3A_984] : memref<2x8192x32xf32, #tpu.memory_space<vmem>>, vector<1x8192x32xf32>
      %get3A_986 = vector.shape_cast %get3A_985 : vector<1x8192x32xf32> to vector<8192x32xf32>
      %mul3A_987 = arith.constant 2.000000e+00 : f32
      %mul3A_988 = vector.broadcast %mul3A_987 : f32 to vector<8192x32xf32>
      %mul3A_989 = arith.mulf %get3A_986, %mul3A_988 : vector<8192x32xf32>
      %swap3A_990 = arith.constant 1 : index
      %swap3A_991 = arith.constant 0 : index
      %swap3A_992 = arith.constant 0 : index
      %swap3A_993 = vector.load %arg5[%swap3A_990, %swap3A_991, %swap3A_992] : memref<2x8192x32xf32, #tpu.memory_space<vmem>>, vector<1x8192x32xf32>
      %swap3A_994 = vector.shape_cast %swap3A_993 : vector<1x8192x32xf32> to vector<8192x32xf32>
      %swap3A_995 = vector.shape_cast %mul3A_989 : vector<8192x32xf32> to vector<1x8192x32xf32>
      tpu.vector_store %arg5[%swap3A_990, %swap3A_991, %swap3A_992], %swap3A_995 {strides = array<i32>} : memref<2x8192x32xf32, #tpu.memory_space<vmem>>, vector<1x8192x32xf32>,
      %mul3A_996 = arith.mulf %get3A_986, %get3A_986 : vector<8192x32xf32>
      %reduce_sum3A_997 = arith.constant dense<0.000000e+00> : vector<8192xf32>
      %reduce_sum3A_998 = vector.multi_reduction <add>, %mul3A_996, %reduce_sum3A_997 [1] : vector<8192x32xf32> to vector<8192xf32>
      %swap3A_999 = arith.constant 1 : index
      %swap3A_1000 = arith.constant 0 : index
      %swap3A_1001 = vector.load %arg6[%swap3A_999, %swap3A_1000] : memref<2x8192xf32, #tpu.memory_space<vmem>>, vector<1x8192xf32>
      %swap3A_1002 = vector.shape_cast %swap3A_1001 : vector<1x8192xf32> to vector<8192xf32>
      %swap3A_1003 = vector.shape_cast %reduce_sum3A_998 : vector<8192xf32> to vector<1x8192xf32>
      tpu.vector_store %arg6[%swap3A_999, %swap3A_1000], %swap3A_1003 {strides = array<i32>} : memref<2x8192xf32, #tpu.memory_space<vmem>>, vector<1x8192xf32>,
    } else {
    }
    %get3A = arith.constant 0 : index
    %get3A_2 = arith.constant 0 : index
    %get3A_3 = vector.load %arg1[%get3A, %get3A_2] : memref<512x384xf32, #tpu.memory_space<vmem>>, vector<512x384xf32>
    %get3A_4 = arith.constant 0 : index
    %get3A_5 = arith.constant 0 : index
    %get3A_6 = vector.load %arg2[%get3A_4, %get3A_5] : memref<384x64xf32, #tpu.memory_space<vmem>>, vector<384x64xf32>
    %convert_element_type3A_7 = arith.truncf %get3A_6 : vector<384x64xf32> to vector<384x64xbf16>
    %dot_general3A = arith.constant dense<0.000000e+00> : vector<512x64xf32>
    %dot_general3A_8 = tpu.matmul %get3A_3, %convert_element_type3A_7, %dot_general3A {dimension_numbers = #tpu.dot_dimension_numbers<[1], [0], [0], [1], [0, 0, 1, 1], [], []>, transpose_lhs_hint = false} : vector<512x384xf32>, vector<384x64xbf16>, vector<512x64xf32> -> vector<512x64xf32>
    %iota3A = tpu.iota {dimensions = array<i32: 1>} : vector<512x128xi32>
    %slice3A = vector.extract_strided_slice %dot_general3A_8 {offsets = [0, 0], sizes = [512, 32], strides = [1, 1]} : vector<512x64xf32> to vector<512x32xf32>
    %convert_element_type3A_9 = arith.truncf %slice3A : vector<512x32xf32> to vector<512x32xbf16>
    %mul3A = arith.mulf %slice3A, %slice3A : vector<512x32xf32>
    %reduce_sum3A = arith.constant dense<0.000000e+00> : vector<512xf32>
    %reduce_sum3A_10 = vector.multi_reduction <add>, %mul3A, %reduce_sum3A [1] : vector<512x32xf32> to vector<512xf32>
    %broadcast_in_dim3A = vector.shape_cast %reduce_sum3A_10 : vector<512xf32> to vector<512x1xf32>
    %broadcast_in_dim3A_11 = arith.constant 0x7F800000 : f32
    %broadcast_in_dim3A_12 = vector.broadcast %broadcast_in_dim3A_11 : f32 to vector<512x128xf32>
    %broadcast_in_dim3A_13 = arith.constant 0 : i32
    %broadcast_in_dim3A_14 = vector.broadcast %broadcast_in_dim3A_13 : i32 to vector<512x128xi32>
    %get3A_15 = arith.constant 0 : index
    %get3A_16 = arith.constant 0 : index
    %get3A_17 = vector.load %arg6[%get3A_15, %get3A_16] : memref<2x8192xf32, #tpu.memory_space<vmem>>, vector<1x2048xf32>
    %get3A_18 = vector.shape_cast %get3A_17 : vector<1x2048xf32> to vector<2048xf32>
    %get3A_19 = arith.constant 0 : index
    %get3A_20 = arith.constant 0 : index
    %get3A_21 = arith.constant 0 : index
    %get3A_22 = vector.load %arg5[%get3A_19, %get3A_20, %get3A_21] : memref<2x8192x32xf32, #tpu.memory_space<vmem>>, vector<1x2048x32xf32>
    %get3A_23 = vector.shape_cast %get3A_22 : vector<1x2048x32xf32> to vector<2048x32xf32>
    %dot_general3A_24 = arith.constant dense<0.000000e+00> : vector<512x2048xf32>
    %dot_general3A_25 = tpu.matmul %convert_element_type3A_9, %get3A_23, %dot_general3A_24 {dimension_numbers = #tpu.dot_dimension_numbers<[1], [1], [0], [0], [0, 0, 1, 0], [], []>, transpose_lhs_hint = false} : vector<512x32xbf16>, vector<2048x32xf32>, vector<512x2048xf32> -> vector<512x2048xf32>
    %sub3A = vector.broadcast %broadcast_in_dim3A : vector<512x1xf32> to vector<512x2048xf32>
    %sub3A_26 = arith.subf %sub3A, %dot_general3A_25 : vector<512x2048xf32>
    %broadcast_in_dim3A_27 = vector.shape_cast %get3A_18 : vector<2048xf32> to vector<1x2048xf32>
    %add3A = vector.broadcast %broadcast_in_dim3A_27 : vector<1x2048xf32> to vector<512x2048xf32>
    %add3A_28 = arith.addf %sub3A_26, %add3A : vector<512x2048xf32>
    %slice3A_29 = vector.extract_strided_slice %add3A_28 {offsets = [0, 0], sizes = [512, 128], strides = [1, 1]} : vector<512x2048xf32> to vector<512x128xf32>
    %lt3A = arith.cmpf olt, %slice3A_29, %broadcast_in_dim3A_12 : vector<512x128xf32>
    %select_n3A = arith.select %lt3A, %slice3A_29, %broadcast_in_dim3A_12 : vector<512x128xi1>, vector<512x128xf32>
    %jit3A = arith.constant 0 : i32
    %broadcast_in_dim3A_30 = vector.broadcast %jit3A : i32 to vector<512x128xi32>
    %select_n3A_31 = arith.select %lt3A, %broadcast_in_dim3A_30, %broadcast_in_dim3A_14 : vector<512x128xi1>, vector<512x128xi32>
    %slice3A_32 = vector.extract_strided_slice %add3A_28 {offsets = [0, 128], sizes = [512, 128], strides = [1, 1]} : vector<512x2048xf32> to vector<512x128xf32>
    %lt3A_33 = arith.cmpf olt, %slice3A_32, %select_n3A : vector<512x128xf32>
    %select_n3A_34 = arith.select %lt3A_33, %slice3A_32, %select_n3A : vector<512x128xi1>, vector<512x128xf32>
    %jit3A_35 = arith.constant 1 : i32
    %broadcast_in_dim3A_36 = vector.broadcast %jit3A_35 : i32 to vector<512x128xi32>
    %select_n3A_37 = arith.select %lt3A_33, %broadcast_in_dim3A_36, %select_n3A_31 : vector<512x128xi1>, vector<512x128xi32>
    %slice3A_38 = vector.extract_strided_slice %add3A_28 {offsets = [0, 256], sizes = [512, 128], strides = [1, 1]} : vector<512x2048xf32> to vector<512x128xf32>
    %lt3A_39 = arith.cmpf olt, %slice3A_38, %select_n3A_34 : vector<512x128xf32>
    %select_n3A_40 = arith.select %lt3A_39, %slice3A_38, %select_n3A_34 : vector<512x128xi1>, vector<512x128xf32>
    %jit3A_41 = arith.constant 2 : i32
    %broadcast_in_dim3A_42 = vector.broadcast %jit3A_41 : i32 to vector<512x128xi32>
    %select_n3A_43 = arith.select %lt3A_39, %broadcast_in_dim3A_42, %select_n3A_37 : vector<512x128xi1>, vector<512x128xi32>
    %slice3A_44 = vector.extract_strided_slice %add3A_28 {offsets = [0, 384], sizes = [512, 128], strides = [1, 1]} : vector<512x2048xf32> to vector<512x128xf32>
    %lt3A_45 = arith.cmpf olt, %slice3A_44, %select_n3A_40 : vector<512x128xf32>
    %select_n3A_46 = arith.select %lt3A_45, %slice3A_44, %select_n3A_40 : vector<512x128xi1>, vector<512x128xf32>
    %jit3A_47 = arith.constant 3 : i32
    %broadcast_in_dim3A_48 = vector.broadcast %jit3A_47 : i32 to vector<512x128xi32>
    %select_n3A_49 = arith.select %lt3A_45, %broadcast_in_dim3A_48, %select_n3A_43 : vector<512x128xi1>, vector<512x128xi32>
    %slice3A_50 = vector.extract_strided_slice %add3A_28 {offsets = [0, 512], sizes = [512, 128], strides = [1, 1]} : vector<512x2048xf32> to vector<512x128xf32>
    %lt3A_51 = arith.cmpf olt, %slice3A_50, %select_n3A_46 : vector<512x128xf32>
    %select_n3A_52 = arith.select %lt3A_51, %slice3A_50, %select_n3A_46 : vector<512x128xi1>, vector<512x128xf32>
    %jit3A_53 = arith.constant 4 : i32
    %broadcast_in_dim3A_54 = vector.broadcast %jit3A_53 : i32 to vector<512x128xi32>
    %select_n3A_55 = arith.select %lt3A_51, %broadcast_in_dim3A_54, %select_n3A_49 : vector<512x128xi1>, vector<512x128xi32>
    %slice3A_56 = vector.extract_strided_slice %add3A_28 {offsets = [0, 640], sizes = [512, 128], strides = [1, 1]} : vector<512x2048xf32> to vector<512x128xf32>
    %lt3A_57 = arith.cmpf olt, %slice3A_56, %select_n3A_52 : vector<512x128xf32>
    %select_n3A_58 = arith.select %lt3A_57, %slice3A_56, %select_n3A_52 : vector<512x128xi1>, vector<512x128xf32>
    %jit3A_59 = arith.constant 5 : i32
    %broadcast_in_dim3A_60 = vector.broadcast %jit3A_59 : i32 to vector<512x128xi32>
    %select_n3A_61 = arith.select %lt3A_57, %broadcast_in_dim3A_60, %select_n3A_55 : vector<512x128xi1>, vector<512x128xi32>
    %slice3A_62 = vector.extract_strided_slice %add3A_28 {offsets = [0, 768], sizes = [512, 128], strides = [1, 1]} : vector<512x2048xf32> to vector<512x128xf32>
    %lt3A_63 = arith.cmpf olt, %slice3A_62, %select_n3A_58 : vector<512x128xf32>
    %select_n3A_64 = arith.select %lt3A_63, %slice3A_62, %select_n3A_58 : vector<512x128xi1>, vector<512x128xf32>
    %jit3A_65 = arith.constant 6 : i32
    %broadcast_in_dim3A_66 = vector.broadcast %jit3A_65 : i32 to vector<512x128xi32>
    %select_n3A_67 = arith.select %lt3A_63, %broadcast_in_dim3A_66, %select_n3A_61 : vector<512x128xi1>, vector<512x128xi32>
    %slice3A_68 = vector.extract_strided_slice %add3A_28 {offsets = [0, 896], sizes = [512, 128], strides = [1, 1]} : vector<512x2048xf32> to vector<512x128xf32>
    %lt3A_69 = arith.cmpf olt, %slice3A_68, %select_n3A_64 : vector<512x128xf32>
    %select_n3A_70 = arith.select %lt3A_69, %slice3A_68, %select_n3A_64 : vector<512x128xi1>, vector<512x128xf32>
    %jit3A_71 = arith.constant 7 : i32
    %broadcast_in_dim3A_72 = vector.broadcast %jit3A_71 : i32 to vector<512x128xi32>
    %select_n3A_73 = arith.select %lt3A_69, %broadcast_in_dim3A_72, %select_n3A_67 : vector<512x128xi1>, vector<512x128xi32>
    %slice3A_74 = vector.extract_strided_slice %add3A_28 {offsets = [0, 1024], sizes = [512, 128], strides = [1, 1]} : vector<512x2048xf32> to vector<512x128xf32>
    %lt3A_75 = arith.cmpf olt, %slice3A_74, %select_n3A_70 : vector<512x128xf32>
    %select_n3A_76 = arith.select %lt3A_75, %slice3A_74, %select_n3A_70 : vector<512x128xi1>, vector<512x128xf32>
    %jit3A_77 = arith.constant 8 : i32
    %broadcast_in_dim3A_78 = vector.broadcast %jit3A_77 : i32 to vector<512x128xi32>
    %select_n3A_79 = arith.select %lt3A_75, %broadcast_in_dim3A_78, %select_n3A_73 : vector<512x128xi1>, vector<512x128xi32>
    %slice3A_80 = vector.extract_strided_slice %add3A_28 {offsets = [0, 1152], sizes = [512, 128], strides = [1, 1]} : vector<512x2048xf32> to vector<512x128xf32>
    %lt3A_81 = arith.cmpf olt, %slice3A_80, %select_n3A_76 : vector<512x128xf32>
    %select_n3A_82 = arith.select %lt3A_81, %slice3A_80, %select_n3A_76 : vector<512x128xi1>, vector<512x128xf32>
    %jit3A_83 = arith.constant 9 : i32
    %broadcast_in_dim3A_84 = vector.broadcast %jit3A_83 : i32 to vector<512x128xi32>
    %select_n3A_85 = arith.select %lt3A_81, %broadcast_in_dim3A_84, %select_n3A_79 : vector<512x128xi1>, vector<512x128xi32>
    %slice3A_86 = vector.extract_strided_slice %add3A_28 {offsets = [0, 1280], sizes = [512, 128], strides = [1, 1]} : vector<512x2048xf32> to vector<512x128xf32>
    %lt3A_87 = arith.cmpf olt, %slice3A_86, %select_n3A_82 : vector<512x128xf32>
    %select_n3A_88 = arith.select %lt3A_87, %slice3A_86, %select_n3A_82 : vector<512x128xi1>, vector<512x128xf32>
    %jit3A_89 = arith.constant 10 : i32
    %broadcast_in_dim3A_90 = vector.broadcast %jit3A_89 : i32 to vector<512x128xi32>
    %select_n3A_91 = arith.select %lt3A_87, %broadcast_in_dim3A_90, %select_n3A_85 : vector<512x128xi1>, vector<512x128xi32>
    %slice3A_92 = vector.extract_strided_slice %add3A_28 {offsets = [0, 1408], sizes = [512, 128], strides = [1, 1]} : vector<512x2048xf32> to vector<512x128xf32>
    %lt3A_93 = arith.cmpf olt, %slice3A_92, %select_n3A_88 : vector<512x128xf32>
    %select_n3A_94 = arith.select %lt3A_93, %slice3A_92, %select_n3A_88 : vector<512x128xi1>, vector<512x128xf32>
    %jit3A_95 = arith.constant 11 : i32
    %broadcast_in_dim3A_96 = vector.broadcast %jit3A_95 : i32 to vector<512x128xi32>
    %select_n3A_97 = arith.select %lt3A_93, %broadcast_in_dim3A_96, %select_n3A_91 : vector<512x128xi1>, vector<512x128xi32>
    %slice3A_98 = vector.extract_strided_slice %add3A_28 {offsets = [0, 1536], sizes = [512, 128], strides = [1, 1]} : vector<512x2048xf32> to vector<512x128xf32>
    %lt3A_99 = arith.cmpf olt, %slice3A_98, %select_n3A_94 : vector<512x128xf32>
    %select_n3A_100 = arith.select %lt3A_99, %slice3A_98, %select_n3A_94 : vector<512x128xi1>, vector<512x128xf32>
    %jit3A_101 = arith.constant 12 : i32
    %broadcast_in_dim3A_102 = vector.broadcast %jit3A_101 : i32 to vector<512x128xi32>
    %select_n3A_103 = arith.select %lt3A_99, %broadcast_in_dim3A_102, %select_n3A_97 : vector<512x128xi1>, vector<512x128xi32>
    %slice3A_104 = vector.extract_strided_slice %add3A_28 {offsets = [0, 1664], sizes = [512, 128], strides = [1, 1]} : vector<512x2048xf32> to vector<512x128xf32>
    %lt3A_105 = arith.cmpf olt, %slice3A_104, %select_n3A_100 : vector<512x128xf32>
    %select_n3A_106 = arith.select %lt3A_105, %slice3A_104, %select_n3A_100 : vector<512x128xi1>, vector<512x128xf32>
    %jit3A_107 = arith.constant 13 : i32
    %broadcast_in_dim3A_108 = vector.broadcast %jit3A_107 : i32 to vector<512x128xi32>
    %select_n3A_109 = arith.select %lt3A_105, %broadcast_in_dim3A_108, %select_n3A_103 : vector<512x128xi1>, vector<512x128xi32>
    %slice3A_110 = vector.extract_strided_slice %add3A_28 {offsets = [0, 1792], sizes = [512, 128], strides = [1, 1]} : vector<512x2048xf32> to vector<512x128xf32>
    %lt3A_111 = arith.cmpf olt, %slice3A_110, %select_n3A_106 : vector<512x128xf32>
    %select_n3A_112 = arith.select %lt3A_111, %slice3A_110, %select_n3A_106 : vector<512x128xi1>, vector<512x128xf32>
    %jit3A_113 = arith.constant 14 : i32
    %broadcast_in_dim3A_114 = vector.broadcast %jit3A_113 : i32 to vector<512x128xi32>
    %select_n3A_115 = arith.select %lt3A_111, %broadcast_in_dim3A_114, %select_n3A_109 : vector<512x128xi1>, vector<512x128xi32>
    %slice3A_116 = vector.extract_strided_slice %add3A_28 {offsets = [0, 1920], sizes = [512, 128], strides = [1, 1]} : vector<512x2048xf32> to vector<512x128xf32>
    %lt3A_117 = arith.cmpf olt, %slice3A_116, %select_n3A_112 : vector<512x128xf32>
    %select_n3A_118 = arith.select %lt3A_117, %slice3A_116, %select_n3A_112 : vector<512x128xi1>, vector<512x128xf32>
    %jit3A_119 = arith.constant 15 : i32
    %broadcast_in_dim3A_120 = vector.broadcast %jit3A_119 : i32 to vector<512x128xi32>
    %select_n3A_121 = arith.select %lt3A_117, %broadcast_in_dim3A_120, %select_n3A_115 : vector<512x128xi1>, vector<512x128xi32>
    %get3A_122 = arith.constant 0 : index
    %get3A_123 = arith.constant 2048 : index
    %get3A_124 = vector.load %arg6[%get3A_122, %get3A_123] : memref<2x8192xf32, #tpu.memory_space<vmem>>, vector<1x2048xf32>
    %get3A_125 = vector.shape_cast %get3A_124 : vector<1x2048xf32> to vector<2048xf32>
    %get3A_126 = arith.constant 0 : index
    %get3A_127 = arith.constant 2048 : index
    %get3A_128 = arith.constant 0 : index
    %get3A_129 = vector.load %arg5[%get3A_126, %get3A_127, %get3A_128] : memref<2x8192x32xf32, #tpu.memory_space<vmem>>, vector<1x2048x32xf32>
    %get3A_130 = vector.shape_cast %get3A_129 : vector<1x2048x32xf32> to vector<2048x32xf32>
    %dot_general3A_131 = arith.constant dense<0.000000e+00> : vector<512x2048xf32>
    %dot_general3A_132 = tpu.matmul %convert_element_type3A_9, %get3A_130, %dot_general3A_131 {dimension_numbers = #tpu.dot_dimension_numbers<[1], [1], [0], [0], [0, 0, 1, 0], [], []>, transpose_lhs_hint = false} : vector<512x32xbf16>, vector<2048x32xf32>, vector<512x2048xf32> -> vector<512x2048xf32>
    %sub3A_133 = vector.broadcast %broadcast_in_dim3A : vector<512x1xf32> to vector<512x2048xf32>
    %sub3A_134 = arith.subf %sub3A_133, %dot_general3A_132 : vector<512x2048xf32>
    %broadcast_in_dim3A_135 = vector.shape_cast %get3A_125 : vector<2048xf32> to vector<1x2048xf32>
    %add3A_136 = vector.broadcast %broadcast_in_dim3A_135 : vector<1x2048xf32> to vector<512x2048xf32>
    %add3A_137 = arith.addf %sub3A_134, %add3A_136 : vector<512x2048xf32>
    %slice3A_138 = vector.extract_strided_slice %add3A_137 {offsets = [0, 0], sizes = [512, 128], strides = [1, 1]} : vector<512x2048xf32> to vector<512x128xf32>
    %lt3A_139 = arith.cmpf olt, %slice3A_138, %select_n3A_118 : vector<512x128xf32>
    %select_n3A_140 = arith.select %lt3A_139, %slice3A_138, %select_n3A_118 : vector<512x128xi1>, vector<512x128xf32>
    %jit3A_141 = arith.constant 16 : i32
    %broadcast_in_dim3A_142 = vector.broadcast %jit3A_141 : i32 to vector<512x128xi32>
    %select_n3A_143 = arith.select %lt3A_139, %broadcast_in_dim3A_142, %select_n3A_121 : vector<512x128xi1>, vector<512x128xi32>
    %slice3A_144 = vector.extract_strided_slice %add3A_137 {offsets = [0, 128], sizes = [512, 128], strides = [1, 1]} : vector<512x2048xf32> to vector<512x128xf32>
    %lt3A_145 = arith.cmpf olt, %slice3A_144, %select_n3A_140 : vector<512x128xf32>
    %select_n3A_146 = arith.select %lt3A_145, %slice3A_144, %select_n3A_140 : vector<512x128xi1>, vector<512x128xf32>
    %jit3A_147 = arith.constant 17 : i32
    %broadcast_in_dim3A_148 = vector.broadcast %jit3A_147 : i32 to vector<512x128xi32>
    %select_n3A_149 = arith.select %lt3A_145, %broadcast_in_dim3A_148, %select_n3A_143 : vector<512x128xi1>, vector<512x128xi32>
    %slice3A_150 = vector.extract_strided_slice %add3A_137 {offsets = [0, 256], sizes = [512, 128], strides = [1, 1]} : vector<512x2048xf32> to vector<512x128xf32>
    %lt3A_151 = arith.cmpf olt, %slice3A_150, %select_n3A_146 : vector<512x128xf32>
    %select_n3A_152 = arith.select %lt3A_151, %slice3A_150, %select_n3A_146 : vector<512x128xi1>, vector<512x128xf32>
    %jit3A_153 = arith.constant 18 : i32
    %broadcast_in_dim3A_154 = vector.broadcast %jit3A_153 : i32 to vector<512x128xi32>
    %select_n3A_155 = arith.select %lt3A_151, %broadcast_in_dim3A_154, %select_n3A_149 : vector<512x128xi1>, vector<512x128xi32>
    %slice3A_156 = vector.extract_strided_slice %add3A_137 {offsets = [0, 384], sizes = [512, 128], strides = [1, 1]} : vector<512x2048xf32> to vector<512x128xf32>
    %lt3A_157 = arith.cmpf olt, %slice3A_156, %select_n3A_152 : vector<512x128xf32>
    %select_n3A_158 = arith.select %lt3A_157, %slice3A_156, %select_n3A_152 : vector<512x128xi1>, vector<512x128xf32>
    %jit3A_159 = arith.constant 19 : i32
    %broadcast_in_dim3A_160 = vector.broadcast %jit3A_159 : i32 to vector<512x128xi32>
    %select_n3A_161 = arith.select %lt3A_157, %broadcast_in_dim3A_160, %select_n3A_155 : vector<512x128xi1>, vector<512x128xi32>
    %slice3A_162 = vector.extract_strided_slice %add3A_137 {offsets = [0, 512], sizes = [512, 128], strides = [1, 1]} : vector<512x2048xf32> to vector<512x128xf32>
    %lt3A_163 = arith.cmpf olt, %slice3A_162, %select_n3A_158 : vector<512x128xf32>
    %select_n3A_164 = arith.select %lt3A_163, %slice3A_162, %select_n3A_158 : vector<512x128xi1>, vector<512x128xf32>
    %jit3A_165 = arith.constant 20 : i32
    %broadcast_in_dim3A_166 = vector.broadcast %jit3A_165 : i32 to vector<512x128xi32>
    %select_n3A_167 = arith.select %lt3A_163, %broadcast_in_dim3A_166, %select_n3A_161 : vector<512x128xi1>, vector<512x128xi32>
    %slice3A_168 = vector.extract_strided_slice %add3A_137 {offsets = [0, 640], sizes = [512, 128], strides = [1, 1]} : vector<512x2048xf32> to vector<512x128xf32>
    %lt3A_169 = arith.cmpf olt, %slice3A_168, %select_n3A_164 : vector<512x128xf32>
    %select_n3A_170 = arith.select %lt3A_169, %slice3A_168, %select_n3A_164 : vector<512x128xi1>, vector<512x128xf32>
    %jit3A_171 = arith.constant 21 : i32
    %broadcast_in_dim3A_172 = vector.broadcast %jit3A_171 : i32 to vector<512x128xi32>
    %select_n3A_173 = arith.select %lt3A_169, %broadcast_in_dim3A_172, %select_n3A_167 : vector<512x128xi1>, vector<512x128xi32>
    %slice3A_174 = vector.extract_strided_slice %add3A_137 {offsets = [0, 768], sizes = [512, 128], strides = [1, 1]} : vector<512x2048xf32> to vector<512x128xf32>
    %lt3A_175 = arith.cmpf olt, %slice3A_174, %select_n3A_170 : vector<512x128xf32>
    %select_n3A_176 = arith.select %lt3A_175, %slice3A_174, %select_n3A_170 : vector<512x128xi1>, vector<512x128xf32>
    %jit3A_177 = arith.constant 22 : i32
    %broadcast_in_dim3A_178 = vector.broadcast %jit3A_177 : i32 to vector<512x128xi32>
    %select_n3A_179 = arith.select %lt3A_175, %broadcast_in_dim3A_178, %select_n3A_173 : vector<512x128xi1>, vector<512x128xi32>
    %slice3A_180 = vector.extract_strided_slice %add3A_137 {offsets = [0, 896], sizes = [512, 128], strides = [1, 1]} : vector<512x2048xf32> to vector<512x128xf32>
    %lt3A_181 = arith.cmpf olt, %slice3A_180, %select_n3A_176 : vector<512x128xf32>
    %select_n3A_182 = arith.select %lt3A_181, %slice3A_180, %select_n3A_176 : vector<512x128xi1>, vector<512x128xf32>
    %jit3A_183 = arith.constant 23 : i32
    %broadcast_in_dim3A_184 = vector.broadcast %jit3A_183 : i32 to vector<512x128xi32>
    %select_n3A_185 = arith.select %lt3A_181, %broadcast_in_dim3A_184, %select_n3A_179 : vector<512x128xi1>, vector<512x128xi32>
    %slice3A_186 = vector.extract_strided_slice %add3A_137 {offsets = [0, 1024], sizes = [512, 128], strides = [1, 1]} : vector<512x2048xf32> to vector<512x128xf32>
    %lt3A_187 = arith.cmpf olt, %slice3A_186, %select_n3A_182 : vector<512x128xf32>
    %select_n3A_188 = arith.select %lt3A_187, %slice3A_186, %select_n3A_182 : vector<512x128xi1>, vector<512x128xf32>
    %jit3A_189 = arith.constant 24 : i32
    %broadcast_in_dim3A_190 = vector.broadcast %jit3A_189 : i32 to vector<512x128xi32>
    %select_n3A_191 = arith.select %lt3A_187, %broadcast_in_dim3A_190, %select_n3A_185 : vector<512x128xi1>, vector<512x128xi32>
    %slice3A_192 = vector.extract_strided_slice %add3A_137 {offsets = [0, 1152], sizes = [512, 128], strides = [1, 1]} : vector<512x2048xf32> to vector<512x128xf32>
    %lt3A_193 = arith.cmpf olt, %slice3A_192, %select_n3A_188 : vector<512x128xf32>
    %select_n3A_194 = arith.select %lt3A_193, %slice3A_192, %select_n3A_188 : vector<512x128xi1>, vector<512x128xf32>
    %jit3A_195 = arith.constant 25 : i32
    %broadcast_in_dim3A_196 = vector.broadcast %jit3A_195 : i32 to vector<512x128xi32>
    %select_n3A_197 = arith.select %lt3A_193, %broadcast_in_dim3A_196, %select_n3A_191 : vector<512x128xi1>, vector<512x128xi32>
    %slice3A_198 = vector.extract_strided_slice %add3A_137 {offsets = [0, 1280], sizes = [512, 128], strides = [1, 1]} : vector<512x2048xf32> to vector<512x128xf32>
    %lt3A_199 = arith.cmpf olt, %slice3A_198, %select_n3A_194 : vector<512x128xf32>
    %select_n3A_200 = arith.select %lt3A_199, %slice3A_198, %select_n3A_194 : vector<512x128xi1>, vector<512x128xf32>
    %jit3A_201 = arith.constant 26 : i32
    %broadcast_in_dim3A_202 = vector.broadcast %jit3A_201 : i32 to vector<512x128xi32>
    %select_n3A_203 = arith.select %lt3A_199, %broadcast_in_dim3A_202, %select_n3A_197 : vector<512x128xi1>, vector<512x128xi32>
    %slice3A_204 = vector.extract_strided_slice %add3A_137 {offsets = [0, 1408], sizes = [512, 128], strides = [1, 1]} : vector<512x2048xf32> to vector<512x128xf32>
    %lt3A_205 = arith.cmpf olt, %slice3A_204, %select_n3A_200 : vector<512x128xf32>
    %select_n3A_206 = arith.select %lt3A_205, %slice3A_204, %select_n3A_200 : vector<512x128xi1>, vector<512x128xf32>
    %jit3A_207 = arith.constant 27 : i32
    %broadcast_in_dim3A_208 = vector.broadcast %jit3A_207 : i32 to vector<512x128xi32>
    %select_n3A_209 = arith.select %lt3A_205, %broadcast_in_dim3A_208, %select_n3A_203 : vector<512x128xi1>, vector<512x128xi32>
    %slice3A_210 = vector.extract_strided_slice %add3A_137 {offsets = [0, 1536], sizes = [512, 128], strides = [1, 1]} : vector<512x2048xf32> to vector<512x128xf32>
    %lt3A_211 = arith.cmpf olt, %slice3A_210, %select_n3A_206 : vector<512x128xf32>
    %select_n3A_212 = arith.select %lt3A_211, %slice3A_210, %select_n3A_206 : vector<512x128xi1>, vector<512x128xf32>
    %jit3A_213 = arith.constant 28 : i32
    %broadcast_in_dim3A_214 = vector.broadcast %jit3A_213 : i32 to vector<512x128xi32>
    %select_n3A_215 = arith.select %lt3A_211, %broadcast_in_dim3A_214, %select_n3A_209 : vector<512x128xi1>, vector<512x128xi32>
    %slice3A_216 = vector.extract_strided_slice %add3A_137 {offsets = [0, 1664], sizes = [512, 128], strides = [1, 1]} : vector<512x2048xf32> to vector<512x128xf32>
    %lt3A_217 = arith.cmpf olt, %slice3A_216, %select_n3A_212 : vector<512x128xf32>
    %select_n3A_218 = arith.select %lt3A_217, %slice3A_216, %select_n3A_212 : vector<512x128xi1>, vector<512x128xf32>
    %jit3A_219 = arith.constant 29 : i32
    %broadcast_in_dim3A_220 = vector.broadcast %jit3A_219 : i32 to vector<512x128xi32>
    %select_n3A_221 = arith.select %lt3A_217, %broadcast_in_dim3A_220, %select_n3A_215 : vector<512x128xi1>, vector<512x128xi32>
    %slice3A_222 = vector.extract_strided_slice %add3A_137 {offsets = [0, 1792], sizes = [512, 128], strides = [1, 1]} : vector<512x2048xf32> to vector<512x128xf32>
    %lt3A_223 = arith.cmpf olt, %slice3A_222, %select_n3A_218 : vector<512x128xf32>
    %select_n3A_224 = arith.select %lt3A_223, %slice3A_222, %select_n3A_218 : vector<512x128xi1>, vector<512x128xf32>
    %jit3A_225 = arith.constant 30 : i32
    %broadcast_in_dim3A_226 = vector.broadcast %jit3A_225 : i32 to vector<512x128xi32>
    %select_n3A_227 = arith.select %lt3A_223, %broadcast_in_dim3A_226, %select_n3A_221 : vector<512x128xi1>, vector<512x128xi32>
    %slice3A_228 = vector.extract_strided_slice %add3A_137 {offsets = [0, 1920], sizes = [512, 128], strides = [1, 1]} : vector<512x2048xf32> to vector<512x128xf32>
    %lt3A_229 = arith.cmpf olt, %slice3A_228, %select_n3A_224 : vector<512x128xf32>
    %select_n3A_230 = arith.select %lt3A_229, %slice3A_228, %select_n3A_224 : vector<512x128xi1>, vector<512x128xf32>
    %jit3A_231 = arith.constant 31 : i32
    %broadcast_in_dim3A_232 = vector.broadcast %jit3A_231 : i32 to vector<512x128xi32>
    %select_n3A_233 = arith.select %lt3A_229, %broadcast_in_dim3A_232, %select_n3A_227 : vector<512x128xi1>, vector<512x128xi32>
    %get3A_234 = arith.constant 0 : index
    %get3A_235 = arith.constant 4096 : index
    %get3A_236 = vector.load %arg6[%get3A_234, %get3A_235] : memref<2x8192xf32, #tpu.memory_space<vmem>>, vector<1x2048xf32>
    %get3A_237 = vector.shape_cast %get3A_236 : vector<1x2048xf32> to vector<2048xf32>
    %get3A_238 = arith.constant 0 : index
    %get3A_239 = arith.constant 4096 : index
    %get3A_240 = arith.constant 0 : index
    %get3A_241 = vector.load %arg5[%get3A_238, %get3A_239, %get3A_240] : memref<2x8192x32xf32, #tpu.memory_space<vmem>>, vector<1x2048x32xf32>
    %get3A_242 = vector.shape_cast %get3A_241 : vector<1x2048x32xf32> to vector<2048x32xf32>
    %dot_general3A_243 = arith.constant dense<0.000000e+00> : vector<512x2048xf32>
    %dot_general3A_244 = tpu.matmul %convert_element_type3A_9, %get3A_242, %dot_general3A_243 {dimension_numbers = #tpu.dot_dimension_numbers<[1], [1], [0], [0], [0, 0, 1, 0], [], []>, transpose_lhs_hint = false} : vector<512x32xbf16>, vector<2048x32xf32>, vector<512x2048xf32> -> vector<512x2048xf32>
    %sub3A_245 = vector.broadcast %broadcast_in_dim3A : vector<512x1xf32> to vector<512x2048xf32>
    %sub3A_246 = arith.subf %sub3A_245, %dot_general3A_244 : vector<512x2048xf32>
    %broadcast_in_dim3A_247 = vector.shape_cast %get3A_237 : vector<2048xf32> to vector<1x2048xf32>
    %add3A_248 = vector.broadcast %broadcast_in_dim3A_247 : vector<1x2048xf32> to vector<512x2048xf32>
    %add3A_249 = arith.addf %sub3A_246, %add3A_248 : vector<512x2048xf32>
    %slice3A_250 = vector.extract_strided_slice %add3A_249 {offsets = [0, 0], sizes = [512, 128], strides = [1, 1]} : vector<512x2048xf32> to vector<512x128xf32>
    %lt3A_251 = arith.cmpf olt, %slice3A_250, %select_n3A_230 : vector<512x128xf32>
    %select_n3A_252 = arith.select %lt3A_251, %slice3A_250, %select_n3A_230 : vector<512x128xi1>, vector<512x128xf32>
    %jit3A_253 = arith.constant 32 : i32
    %broadcast_in_dim3A_254 = vector.broadcast %jit3A_253 : i32 to vector<512x128xi32>
    %select_n3A_255 = arith.select %lt3A_251, %broadcast_in_dim3A_254, %select_n3A_233 : vector<512x128xi1>, vector<512x128xi32>
    %slice3A_256 = vector.extract_strided_slice %add3A_249 {offsets = [0, 128], sizes = [512, 128], strides = [1, 1]} : vector<512x2048xf32> to vector<512x128xf32>
    %lt3A_257 = arith.cmpf olt, %slice3A_256, %select_n3A_252 : vector<512x128xf32>
    %select_n3A_258 = arith.select %lt3A_257, %slice3A_256, %select_n3A_252 : vector<512x128xi1>, vector<512x128xf32>
    %jit3A_259 = arith.constant 33 : i32
    %broadcast_in_dim3A_260 = vector.broadcast %jit3A_259 : i32 to vector<512x128xi32>
    %select_n3A_261 = arith.select %lt3A_257, %broadcast_in_dim3A_260, %select_n3A_255 : vector<512x128xi1>, vector<512x128xi32>
    %slice3A_262 = vector.extract_strided_slice %add3A_249 {offsets = [0, 256], sizes = [512, 128], strides = [1, 1]} : vector<512x2048xf32> to vector<512x128xf32>
    %lt3A_263 = arith.cmpf olt, %slice3A_262, %select_n3A_258 : vector<512x128xf32>
    %select_n3A_264 = arith.select %lt3A_263, %slice3A_262, %select_n3A_258 : vector<512x128xi1>, vector<512x128xf32>
    %jit3A_265 = arith.constant 34 : i32
    %broadcast_in_dim3A_266 = vector.broadcast %jit3A_265 : i32 to vector<512x128xi32>
    %select_n3A_267 = arith.select %lt3A_263, %broadcast_in_dim3A_266, %select_n3A_261 : vector<512x128xi1>, vector<512x128xi32>
    %slice3A_268 = vector.extract_strided_slice %add3A_249 {offsets = [0, 384], sizes = [512, 128], strides = [1, 1]} : vector<512x2048xf32> to vector<512x128xf32>
    %lt3A_269 = arith.cmpf olt, %slice3A_268, %select_n3A_264 : vector<512x128xf32>
    %select_n3A_270 = arith.select %lt3A_269, %slice3A_268, %select_n3A_264 : vector<512x128xi1>, vector<512x128xf32>
    %jit3A_271 = arith.constant 35 : i32
    %broadcast_in_dim3A_272 = vector.broadcast %jit3A_271 : i32 to vector<512x128xi32>
    %select_n3A_273 = arith.select %lt3A_269, %broadcast_in_dim3A_272, %select_n3A_267 : vector<512x128xi1>, vector<512x128xi32>
    %slice3A_274 = vector.extract_strided_slice %add3A_249 {offsets = [0, 512], sizes = [512, 128], strides = [1, 1]} : vector<512x2048xf32> to vector<512x128xf32>
    %lt3A_275 = arith.cmpf olt, %slice3A_274, %select_n3A_270 : vector<512x128xf32>
    %select_n3A_276 = arith.select %lt3A_275, %slice3A_274, %select_n3A_270 : vector<512x128xi1>, vector<512x128xf32>
    %jit3A_277 = arith.constant 36 : i32
    %broadcast_in_dim3A_278 = vector.broadcast %jit3A_277 : i32 to vector<512x128xi32>
    %select_n3A_279 = arith.select %lt3A_275, %broadcast_in_dim3A_278, %select_n3A_273 : vector<512x128xi1>, vector<512x128xi32>
    %slice3A_280 = vector.extract_strided_slice %add3A_249 {offsets = [0, 640], sizes = [512, 128], strides = [1, 1]} : vector<512x2048xf32> to vector<512x128xf32>
    %lt3A_281 = arith.cmpf olt, %slice3A_280, %select_n3A_276 : vector<512x128xf32>
    %select_n3A_282 = arith.select %lt3A_281, %slice3A_280, %select_n3A_276 : vector<512x128xi1>, vector<512x128xf32>
    %jit3A_283 = arith.constant 37 : i32
    %broadcast_in_dim3A_284 = vector.broadcast %jit3A_283 : i32 to vector<512x128xi32>
    %select_n3A_285 = arith.select %lt3A_281, %broadcast_in_dim3A_284, %select_n3A_279 : vector<512x128xi1>, vector<512x128xi32>
    %slice3A_286 = vector.extract_strided_slice %add3A_249 {offsets = [0, 768], sizes = [512, 128], strides = [1, 1]} : vector<512x2048xf32> to vector<512x128xf32>
    %lt3A_287 = arith.cmpf olt, %slice3A_286, %select_n3A_282 : vector<512x128xf32>
    %select_n3A_288 = arith.select %lt3A_287, %slice3A_286, %select_n3A_282 : vector<512x128xi1>, vector<512x128xf32>
    %jit3A_289 = arith.constant 38 : i32
    %broadcast_in_dim3A_290 = vector.broadcast %jit3A_289 : i32 to vector<512x128xi32>
    %select_n3A_291 = arith.select %lt3A_287, %broadcast_in_dim3A_290, %select_n3A_285 : vector<512x128xi1>, vector<512x128xi32>
    %slice3A_292 = vector.extract_strided_slice %add3A_249 {offsets = [0, 896], sizes = [512, 128], strides = [1, 1]} : vector<512x2048xf32> to vector<512x128xf32>
    %lt3A_293 = arith.cmpf olt, %slice3A_292, %select_n3A_288 : vector<512x128xf32>
    %select_n3A_294 = arith.select %lt3A_293, %slice3A_292, %select_n3A_288 : vector<512x128xi1>, vector<512x128xf32>
    %jit3A_295 = arith.constant 39 : i32
    %broadcast_in_dim3A_296 = vector.broadcast %jit3A_295 : i32 to vector<512x128xi32>
    %select_n3A_297 = arith.select %lt3A_293, %broadcast_in_dim3A_296, %select_n3A_291 : vector<512x128xi1>, vector<512x128xi32>
    %slice3A_298 = vector.extract_strided_slice %add3A_249 {offsets = [0, 1024], sizes = [512, 128], strides = [1, 1]} : vector<512x2048xf32> to vector<512x128xf32>
    %lt3A_299 = arith.cmpf olt, %slice3A_298, %select_n3A_294 : vector<512x128xf32>
    %select_n3A_300 = arith.select %lt3A_299, %slice3A_298, %select_n3A_294 : vector<512x128xi1>, vector<512x128xf32>
    %jit3A_301 = arith.constant 40 : i32
    %broadcast_in_dim3A_302 = vector.broadcast %jit3A_301 : i32 to vector<512x128xi32>
    %select_n3A_303 = arith.select %lt3A_299, %broadcast_in_dim3A_302, %select_n3A_297 : vector<512x128xi1>, vector<512x128xi32>
    %slice3A_304 = vector.extract_strided_slice %add3A_249 {offsets = [0, 1152], sizes = [512, 128], strides = [1, 1]} : vector<512x2048xf32> to vector<512x128xf32>
    %lt3A_305 = arith.cmpf olt, %slice3A_304, %select_n3A_300 : vector<512x128xf32>
    %select_n3A_306 = arith.select %lt3A_305, %slice3A_304, %select_n3A_300 : vector<512x128xi1>, vector<512x128xf32>
    %jit3A_307 = arith.constant 41 : i32
    %broadcast_in_dim3A_308 = vector.broadcast %jit3A_307 : i32 to vector<512x128xi32>
    %select_n3A_309 = arith.select %lt3A_305, %broadcast_in_dim3A_308, %select_n3A_303 : vector<512x128xi1>, vector<512x128xi32>
    %slice3A_310 = vector.extract_strided_slice %add3A_249 {offsets = [0, 1280], sizes = [512, 128], strides = [1, 1]} : vector<512x2048xf32> to vector<512x128xf32>
    %lt3A_311 = arith.cmpf olt, %slice3A_310, %select_n3A_306 : vector<512x128xf32>
    %select_n3A_312 = arith.select %lt3A_311, %slice3A_310, %select_n3A_306 : vector<512x128xi1>, vector<512x128xf32>
    %jit3A_313 = arith.constant 42 : i32
    %broadcast_in_dim3A_314 = vector.broadcast %jit3A_313 : i32 to vector<512x128xi32>
    %select_n3A_315 = arith.select %lt3A_311, %broadcast_in_dim3A_314, %select_n3A_309 : vector<512x128xi1>, vector<512x128xi32>
    %slice3A_316 = vector.extract_strided_slice %add3A_249 {offsets = [0, 1408], sizes = [512, 128], strides = [1, 1]} : vector<512x2048xf32> to vector<512x128xf32>
    %lt3A_317 = arith.cmpf olt, %slice3A_316, %select_n3A_312 : vector<512x128xf32>
    %select_n3A_318 = arith.select %lt3A_317, %slice3A_316, %select_n3A_312 : vector<512x128xi1>, vector<512x128xf32>
    %jit3A_319 = arith.constant 43 : i32
    %broadcast_in_dim3A_320 = vector.broadcast %jit3A_319 : i32 to vector<512x128xi32>
    %select_n3A_321 = arith.select %lt3A_317, %broadcast_in_dim3A_320, %select_n3A_315 : vector<512x128xi1>, vector<512x128xi32>
    %slice3A_322 = vector.extract_strided_slice %add3A_249 {offsets = [0, 1536], sizes = [512, 128], strides = [1, 1]} : vector<512x2048xf32> to vector<512x128xf32>
    %lt3A_323 = arith.cmpf olt, %slice3A_322, %select_n3A_318 : vector<512x128xf32>
    %select_n3A_324 = arith.select %lt3A_323, %slice3A_322, %select_n3A_318 : vector<512x128xi1>, vector<512x128xf32>
    %jit3A_325 = arith.constant 44 : i32
    %broadcast_in_dim3A_326 = vector.broadcast %jit3A_325 : i32 to vector<512x128xi32>
    %select_n3A_327 = arith.select %lt3A_323, %broadcast_in_dim3A_326, %select_n3A_321 : vector<512x128xi1>, vector<512x128xi32>
    %slice3A_328 = vector.extract_strided_slice %add3A_249 {offsets = [0, 1664], sizes = [512, 128], strides = [1, 1]} : vector<512x2048xf32> to vector<512x128xf32>
    %lt3A_329 = arith.cmpf olt, %slice3A_328, %select_n3A_324 : vector<512x128xf32>
    %select_n3A_330 = arith.select %lt3A_329, %slice3A_328, %select_n3A_324 : vector<512x128xi1>, vector<512x128xf32>
    %jit3A_331 = arith.constant 45 : i32
    %broadcast_in_dim3A_332 = vector.broadcast %jit3A_331 : i32 to vector<512x128xi32>
    %select_n3A_333 = arith.select %lt3A_329, %broadcast_in_dim3A_332, %select_n3A_327 : vector<512x128xi1>, vector<512x128xi32>
    %slice3A_334 = vector.extract_strided_slice %add3A_249 {offsets = [0, 1792], sizes = [512, 128], strides = [1, 1]} : vector<512x2048xf32> to vector<512x128xf32>
    %lt3A_335 = arith.cmpf olt, %slice3A_334, %select_n3A_330 : vector<512x128xf32>
    %select_n3A_336 = arith.select %lt3A_335, %slice3A_334, %select_n3A_330 : vector<512x128xi1>, vector<512x128xf32>
    %jit3A_337 = arith.constant 46 : i32
    %broadcast_in_dim3A_338 = vector.broadcast %jit3A_337 : i32 to vector<512x128xi32>
    %select_n3A_339 = arith.select %lt3A_335, %broadcast_in_dim3A_338, %select_n3A_333 : vector<512x128xi1>, vector<512x128xi32>
    %slice3A_340 = vector.extract_strided_slice %add3A_249 {offsets = [0, 1920], sizes = [512, 128], strides = [1, 1]} : vector<512x2048xf32> to vector<512x128xf32>
    %lt3A_341 = arith.cmpf olt, %slice3A_340, %select_n3A_336 : vector<512x128xf32>
    %select_n3A_342 = arith.select %lt3A_341, %slice3A_340, %select_n3A_336 : vector<512x128xi1>, vector<512x128xf32>
    %jit3A_343 = arith.constant 47 : i32
    %broadcast_in_dim3A_344 = vector.broadcast %jit3A_343 : i32 to vector<512x128xi32>
    %select_n3A_345 = arith.select %lt3A_341, %broadcast_in_dim3A_344, %select_n3A_339 : vector<512x128xi1>, vector<512x128xi32>
    %get3A_346 = arith.constant 0 : index
    %get3A_347 = arith.constant 6144 : index
    %get3A_348 = vector.load %arg6[%get3A_346, %get3A_347] : memref<2x8192xf32, #tpu.memory_space<vmem>>, vector<1x2048xf32>
    %get3A_349 = vector.shape_cast %get3A_348 : vector<1x2048xf32> to vector<2048xf32>
    %get3A_350 = arith.constant 0 : index
    %get3A_351 = arith.constant 6144 : index
    %get3A_352 = arith.constant 0 : index
    %get3A_353 = vector.load %arg5[%get3A_350, %get3A_351, %get3A_352] : memref<2x8192x32xf32, #tpu.memory_space<vmem>>, vector<1x2048x32xf32>
    %get3A_354 = vector.shape_cast %get3A_353 : vector<1x2048x32xf32> to vector<2048x32xf32>
    %dot_general3A_355 = arith.constant dense<0.000000e+00> : vector<512x2048xf32>
    %dot_general3A_356 = tpu.matmul %convert_element_type3A_9, %get3A_354, %dot_general3A_355 {dimension_numbers = #tpu.dot_dimension_numbers<[1], [1], [0], [0], [0, 0, 1, 0], [], []>, transpose_lhs_hint = false} : vector<512x32xbf16>, vector<2048x32xf32>, vector<512x2048xf32> -> vector<512x2048xf32>
    %sub3A_357 = vector.broadcast %broadcast_in_dim3A : vector<512x1xf32> to vector<512x2048xf32>
    %sub3A_358 = arith.subf %sub3A_357, %dot_general3A_356 : vector<512x2048xf32>
    %broadcast_in_dim3A_359 = vector.shape_cast %get3A_349 : vector<2048xf32> to vector<1x2048xf32>
    %add3A_360 = vector.broadcast %broadcast_in_dim3A_359 : vector<1x2048xf32> to vector<512x2048xf32>
    %add3A_361 = arith.addf %sub3A_358, %add3A_360 : vector<512x2048xf32>
    %slice3A_362 = vector.extract_strided_slice %add3A_361 {offsets = [0, 0], sizes = [512, 128], strides = [1, 1]} : vector<512x2048xf32> to vector<512x128xf32>
    %lt3A_363 = arith.cmpf olt, %slice3A_362, %select_n3A_342 : vector<512x128xf32>
    %select_n3A_364 = arith.select %lt3A_363, %slice3A_362, %select_n3A_342 : vector<512x128xi1>, vector<512x128xf32>
    %jit3A_365 = arith.constant 48 : i32
    %broadcast_in_dim3A_366 = vector.broadcast %jit3A_365 : i32 to vector<512x128xi32>
    %select_n3A_367 = arith.select %lt3A_363, %broadcast_in_dim3A_366, %select_n3A_345 : vector<512x128xi1>, vector<512x128xi32>
    %slice3A_368 = vector.extract_strided_slice %add3A_361 {offsets = [0, 128], sizes = [512, 128], strides = [1, 1]} : vector<512x2048xf32> to vector<512x128xf32>
    %lt3A_369 = arith.cmpf olt, %slice3A_368, %select_n3A_364 : vector<512x128xf32>
    %select_n3A_370 = arith.select %lt3A_369, %slice3A_368, %select_n3A_364 : vector<512x128xi1>, vector<512x128xf32>
    %jit3A_371 = arith.constant 49 : i32
    %broadcast_in_dim3A_372 = vector.broadcast %jit3A_371 : i32 to vector<512x128xi32>
    %select_n3A_373 = arith.select %lt3A_369, %broadcast_in_dim3A_372, %select_n3A_367 : vector<512x128xi1>, vector<512x128xi32>
    %slice3A_374 = vector.extract_strided_slice %add3A_361 {offsets = [0, 256], sizes = [512, 128], strides = [1, 1]} : vector<512x2048xf32> to vector<512x128xf32>
    %lt3A_375 = arith.cmpf olt, %slice3A_374, %select_n3A_370 : vector<512x128xf32>
    %select_n3A_376 = arith.select %lt3A_375, %slice3A_374, %select_n3A_370 : vector<512x128xi1>, vector<512x128xf32>
    %jit3A_377 = arith.constant 50 : i32
    %broadcast_in_dim3A_378 = vector.broadcast %jit3A_377 : i32 to vector<512x128xi32>
    %select_n3A_379 = arith.select %lt3A_375, %broadcast_in_dim3A_378, %select_n3A_373 : vector<512x128xi1>, vector<512x128xi32>
    %slice3A_380 = vector.extract_strided_slice %add3A_361 {offsets = [0, 384], sizes = [512, 128], strides = [1, 1]} : vector<512x2048xf32> to vector<512x128xf32>
    %lt3A_381 = arith.cmpf olt, %slice3A_380, %select_n3A_376 : vector<512x128xf32>
    %select_n3A_382 = arith.select %lt3A_381, %slice3A_380, %select_n3A_376 : vector<512x128xi1>, vector<512x128xf32>
    %jit3A_383 = arith.constant 51 : i32
    %broadcast_in_dim3A_384 = vector.broadcast %jit3A_383 : i32 to vector<512x128xi32>
    %select_n3A_385 = arith.select %lt3A_381, %broadcast_in_dim3A_384, %select_n3A_379 : vector<512x128xi1>, vector<512x128xi32>
    %slice3A_386 = vector.extract_strided_slice %add3A_361 {offsets = [0, 512], sizes = [512, 128], strides = [1, 1]} : vector<512x2048xf32> to vector<512x128xf32>
    %lt3A_387 = arith.cmpf olt, %slice3A_386, %select_n3A_382 : vector<512x128xf32>
    %select_n3A_388 = arith.select %lt3A_387, %slice3A_386, %select_n3A_382 : vector<512x128xi1>, vector<512x128xf32>
    %jit3A_389 = arith.constant 52 : i32
    %broadcast_in_dim3A_390 = vector.broadcast %jit3A_389 : i32 to vector<512x128xi32>
    %select_n3A_391 = arith.select %lt3A_387, %broadcast_in_dim3A_390, %select_n3A_385 : vector<512x128xi1>, vector<512x128xi32>
    %slice3A_392 = vector.extract_strided_slice %add3A_361 {offsets = [0, 640], sizes = [512, 128], strides = [1, 1]} : vector<512x2048xf32> to vector<512x128xf32>
    %lt3A_393 = arith.cmpf olt, %slice3A_392, %select_n3A_388 : vector<512x128xf32>
    %select_n3A_394 = arith.select %lt3A_393, %slice3A_392, %select_n3A_388 : vector<512x128xi1>, vector<512x128xf32>
    %jit3A_395 = arith.constant 53 : i32
    %broadcast_in_dim3A_396 = vector.broadcast %jit3A_395 : i32 to vector<512x128xi32>
    %select_n3A_397 = arith.select %lt3A_393, %broadcast_in_dim3A_396, %select_n3A_391 : vector<512x128xi1>, vector<512x128xi32>
    %slice3A_398 = vector.extract_strided_slice %add3A_361 {offsets = [0, 768], sizes = [512, 128], strides = [1, 1]} : vector<512x2048xf32> to vector<512x128xf32>
    %lt3A_399 = arith.cmpf olt, %slice3A_398, %select_n3A_394 : vector<512x128xf32>
    %select_n3A_400 = arith.select %lt3A_399, %slice3A_398, %select_n3A_394 : vector<512x128xi1>, vector<512x128xf32>
    %jit3A_401 = arith.constant 54 : i32
    %broadcast_in_dim3A_402 = vector.broadcast %jit3A_401 : i32 to vector<512x128xi32>
    %select_n3A_403 = arith.select %lt3A_399, %broadcast_in_dim3A_402, %select_n3A_397 : vector<512x128xi1>, vector<512x128xi32>
    %slice3A_404 = vector.extract_strided_slice %add3A_361 {offsets = [0, 896], sizes = [512, 128], strides = [1, 1]} : vector<512x2048xf32> to vector<512x128xf32>
    %lt3A_405 = arith.cmpf olt, %slice3A_404, %select_n3A_400 : vector<512x128xf32>
    %select_n3A_406 = arith.select %lt3A_405, %slice3A_404, %select_n3A_400 : vector<512x128xi1>, vector<512x128xf32>
    %jit3A_407 = arith.constant 55 : i32
    %broadcast_in_dim3A_408 = vector.broadcast %jit3A_407 : i32 to vector<512x128xi32>
    %select_n3A_409 = arith.select %lt3A_405, %broadcast_in_dim3A_408, %select_n3A_403 : vector<512x128xi1>, vector<512x128xi32>
    %slice3A_410 = vector.extract_strided_slice %add3A_361 {offsets = [0, 1024], sizes = [512, 128], strides = [1, 1]} : vector<512x2048xf32> to vector<512x128xf32>
    %lt3A_411 = arith.cmpf olt, %slice3A_410, %select_n3A_406 : vector<512x128xf32>
    %select_n3A_412 = arith.select %lt3A_411, %slice3A_410, %select_n3A_406 : vector<512x128xi1>, vector<512x128xf32>
    %jit3A_413 = arith.constant 56 : i32
    %broadcast_in_dim3A_414 = vector.broadcast %jit3A_413 : i32 to vector<512x128xi32>
    %select_n3A_415 = arith.select %lt3A_411, %broadcast_in_dim3A_414, %select_n3A_409 : vector<512x128xi1>, vector<512x128xi32>
    %slice3A_416 = vector.extract_strided_slice %add3A_361 {offsets = [0, 1152], sizes = [512, 128], strides = [1, 1]} : vector<512x2048xf32> to vector<512x128xf32>
    %lt3A_417 = arith.cmpf olt, %slice3A_416, %select_n3A_412 : vector<512x128xf32>
    %select_n3A_418 = arith.select %lt3A_417, %slice3A_416, %select_n3A_412 : vector<512x128xi1>, vector<512x128xf32>
    %jit3A_419 = arith.constant 57 : i32
    %broadcast_in_dim3A_420 = vector.broadcast %jit3A_419 : i32 to vector<512x128xi32>
    %select_n3A_421 = arith.select %lt3A_417, %broadcast_in_dim3A_420, %select_n3A_415 : vector<512x128xi1>, vector<512x128xi32>
    %slice3A_422 = vector.extract_strided_slice %add3A_361 {offsets = [0, 1280], sizes = [512, 128], strides = [1, 1]} : vector<512x2048xf32> to vector<512x128xf32>
    %lt3A_423 = arith.cmpf olt, %slice3A_422, %select_n3A_418 : vector<512x128xf32>
    %select_n3A_424 = arith.select %lt3A_423, %slice3A_422, %select_n3A_418 : vector<512x128xi1>, vector<512x128xf32>
    %jit3A_425 = arith.constant 58 : i32
    %broadcast_in_dim3A_426 = vector.broadcast %jit3A_425 : i32 to vector<512x128xi32>
    %select_n3A_427 = arith.select %lt3A_423, %broadcast_in_dim3A_426, %select_n3A_421 : vector<512x128xi1>, vector<512x128xi32>
    %slice3A_428 = vector.extract_strided_slice %add3A_361 {offsets = [0, 1408], sizes = [512, 128], strides = [1, 1]} : vector<512x2048xf32> to vector<512x128xf32>
    %lt3A_429 = arith.cmpf olt, %slice3A_428, %select_n3A_424 : vector<512x128xf32>
    %select_n3A_430 = arith.select %lt3A_429, %slice3A_428, %select_n3A_424 : vector<512x128xi1>, vector<512x128xf32>
    %jit3A_431 = arith.constant 59 : i32
    %broadcast_in_dim3A_432 = vector.broadcast %jit3A_431 : i32 to vector<512x128xi32>
    %select_n3A_433 = arith.select %lt3A_429, %broadcast_in_dim3A_432, %select_n3A_427 : vector<512x128xi1>, vector<512x128xi32>
    %slice3A_434 = vector.extract_strided_slice %add3A_361 {offsets = [0, 1536], sizes = [512, 128], strides = [1, 1]} : vector<512x2048xf32> to vector<512x128xf32>
    %lt3A_435 = arith.cmpf olt, %slice3A_434, %select_n3A_430 : vector<512x128xf32>
    %select_n3A_436 = arith.select %lt3A_435, %slice3A_434, %select_n3A_430 : vector<512x128xi1>, vector<512x128xf32>
    %jit3A_437 = arith.constant 60 : i32
    %broadcast_in_dim3A_438 = vector.broadcast %jit3A_437 : i32 to vector<512x128xi32>
    %select_n3A_439 = arith.select %lt3A_435, %broadcast_in_dim3A_438, %select_n3A_433 : vector<512x128xi1>, vector<512x128xi32>
    %slice3A_440 = vector.extract_strided_slice %add3A_361 {offsets = [0, 1664], sizes = [512, 128], strides = [1, 1]} : vector<512x2048xf32> to vector<512x128xf32>
    %lt3A_441 = arith.cmpf olt, %slice3A_440, %select_n3A_436 : vector<512x128xf32>
    %select_n3A_442 = arith.select %lt3A_441, %slice3A_440, %select_n3A_436 : vector<512x128xi1>, vector<512x128xf32>
    %jit3A_443 = arith.constant 61 : i32
    %broadcast_in_dim3A_444 = vector.broadcast %jit3A_443 : i32 to vector<512x128xi32>
    %select_n3A_445 = arith.select %lt3A_441, %broadcast_in_dim3A_444, %select_n3A_439 : vector<512x128xi1>, vector<512x128xi32>
    %slice3A_446 = vector.extract_strided_slice %add3A_361 {offsets = [0, 1792], sizes = [512, 128], strides = [1, 1]} : vector<512x2048xf32> to vector<512x128xf32>
    %lt3A_447 = arith.cmpf olt, %slice3A_446, %select_n3A_442 : vector<512x128xf32>
    %select_n3A_448 = arith.select %lt3A_447, %slice3A_446, %select_n3A_442 : vector<512x128xi1>, vector<512x128xf32>
    %jit3A_449 = arith.constant 62 : i32
    %broadcast_in_dim3A_450 = vector.broadcast %jit3A_449 : i32 to vector<512x128xi32>
    %select_n3A_451 = arith.select %lt3A_447, %broadcast_in_dim3A_450, %select_n3A_445 : vector<512x128xi1>, vector<512x128xi32>
    %slice3A_452 = vector.extract_strided_slice %add3A_361 {offsets = [0, 1920], sizes = [512, 128], strides = [1, 1]} : vector<512x2048xf32> to vector<512x128xf32>
    %lt3A_453 = arith.cmpf olt, %slice3A_452, %select_n3A_448 : vector<512x128xf32>
    %select_n3A_454 = arith.select %lt3A_453, %slice3A_452, %select_n3A_448 : vector<512x128xi1>, vector<512x128xf32>
    %jit3A_455 = arith.constant 63 : i32
    %broadcast_in_dim3A_456 = vector.broadcast %jit3A_455 : i32 to vector<512x128xi32>
    %select_n3A_457 = arith.select %lt3A_453, %broadcast_in_dim3A_456, %select_n3A_451 : vector<512x128xi1>, vector<512x128xi32>
    %reduce_min3A = arith.constant dense<0x7F800000> : vector<512xf32>
    %reduce_min3A_458 = vector.multi_reduction <minimumf>, %select_n3A_454, %reduce_min3A [1] : vector<512x128xf32> to vector<512xf32>
    %mul3A_459 = arith.constant 128 : i32
    %mul3A_460 = vector.broadcast %mul3A_459 : i32 to vector<512x128xi32>
    %mul3A_461 = arith.muli %select_n3A_457, %mul3A_460 : vector<512x128xi32>
    %add3A_462 = arith.addi %mul3A_461, %iota3A : vector<512x128xi32>
    %broadcast_in_dim3A_463 = vector.shape_cast %reduce_min3A_458 : vector<512xf32> to vector<512x1xf32>
    %eq3A_464 = vector.broadcast %broadcast_in_dim3A_463 : vector<512x1xf32> to vector<512x128xf32>
    %eq3A_465 = arith.cmpf oeq, %select_n3A_454, %eq3A_464 : vector<512x128xf32>
    %jit3A_466 = arith.constant 16384 : i32
    %broadcast_in_dim3A_467 = vector.broadcast %jit3A_466 : i32 to vector<512x128xi32>
    %select_n3A_468 = arith.select %eq3A_465, %add3A_462, %broadcast_in_dim3A_467 : vector<512x128xi1>, vector<512x128xi32>
    %reduce_min3A_469 = arith.constant dense<2147483647> : vector<512xi32>
    %reduce_min3A_470 = vector.multi_reduction <minsi>, %select_n3A_468, %reduce_min3A_469 [1] : vector<512x128xi32> to vector<512xi32>
    %add3A_471 = arith.constant 0 : i32
    %add3A_472 = vector.broadcast %add3A_471 : i32 to vector<512xi32>
    %add3A_473 = arith.addi %reduce_min3A_470, %add3A_472 : vector<512xi32>
    %swap3A = arith.constant 0 : index
    %swap3A_474 = arith.constant 0 : index
    %swap3A_475 = arith.constant 0 : index
    %swap3A_476 = vector.load %arg4[%swap3A, %swap3A_474, %swap3A_475] : memref<1x2x512xi32, #tpu.memory_space<vmem>>, vector<1x1x512xi32>
    %swap3A_477 = vector.shape_cast %swap3A_476 : vector<1x1x512xi32> to vector<512xi32>
    %swap3A_478 = vector.shape_cast %add3A_473 : vector<512xi32> to vector<1x1x512xi32>
    tpu.vector_store %arg4[%swap3A, %swap3A_474, %swap3A_475], %swap3A_478 {strides = array<i32>} : memref<1x2x512xi32, #tpu.memory_space<vmem>>, vector<1x1x512xi32>,
    %slice3A_479 = vector.extract_strided_slice %dot_general3A_8 {offsets = [0, 32], sizes = [512, 32], strides = [1, 1]} : vector<512x64xf32> to vector<512x32xf32>
    %convert_element_type3A_480 = arith.truncf %slice3A_479 : vector<512x32xf32> to vector<512x32xbf16>
    %mul3A_481 = arith.mulf %slice3A_479, %slice3A_479 : vector<512x32xf32>
    %reduce_sum3A_482 = arith.constant dense<0.000000e+00> : vector<512xf32>
    %reduce_sum3A_483 = vector.multi_reduction <add>, %mul3A_481, %reduce_sum3A_482 [1] : vector<512x32xf32> to vector<512xf32>
    %broadcast_in_dim3A_484 = vector.shape_cast %reduce_sum3A_483 : vector<512xf32> to vector<512x1xf32>
    %broadcast_in_dim3A_485 = arith.constant 0x7F800000 : f32
    %broadcast_in_dim3A_486 = vector.broadcast %broadcast_in_dim3A_485 : f32 to vector<512x128xf32>
    %broadcast_in_dim3A_487 = arith.constant 0 : i32
    %broadcast_in_dim3A_488 = vector.broadcast %broadcast_in_dim3A_487 : i32 to vector<512x128xi32>
    %get3A_489 = arith.constant 1 : index
    %get3A_490 = arith.constant 0 : index
    %get3A_491 = vector.load %arg6[%get3A_489, %get3A_490] : memref<2x8192xf32, #tpu.memory_space<vmem>>, vector<1x2048xf32>
    %get3A_492 = vector.shape_cast %get3A_491 : vector<1x2048xf32> to vector<2048xf32>
    %get3A_493 = arith.constant 1 : index
    %get3A_494 = arith.constant 0 : index
    %get3A_495 = arith.constant 0 : index
    %get3A_496 = vector.load %arg5[%get3A_493, %get3A_494, %get3A_495] : memref<2x8192x32xf32, #tpu.memory_space<vmem>>, vector<1x2048x32xf32>
    %get3A_497 = vector.shape_cast %get3A_496 : vector<1x2048x32xf32> to vector<2048x32xf32>
    %dot_general3A_498 = arith.constant dense<0.000000e+00> : vector<512x2048xf32>
    %dot_general3A_499 = tpu.matmul %convert_element_type3A_480, %get3A_497, %dot_general3A_498 {dimension_numbers = #tpu.dot_dimension_numbers<[1], [1], [0], [0], [0, 0, 1, 0], [], []>, transpose_lhs_hint = false} : vector<512x32xbf16>, vector<2048x32xf32>, vector<512x2048xf32> -> vector<512x2048xf32>
    %sub3A_500 = vector.broadcast %broadcast_in_dim3A_484 : vector<512x1xf32> to vector<512x2048xf32>
    %sub3A_501 = arith.subf %sub3A_500, %dot_general3A_499 : vector<512x2048xf32>
    %broadcast_in_dim3A_502 = vector.shape_cast %get3A_492 : vector<2048xf32> to vector<1x2048xf32>
    %add3A_503 = vector.broadcast %broadcast_in_dim3A_502 : vector<1x2048xf32> to vector<512x2048xf32>
    %add3A_504 = arith.addf %sub3A_501, %add3A_503 : vector<512x2048xf32>
    %slice3A_505 = vector.extract_strided_slice %add3A_504 {offsets = [0, 0], sizes = [512, 128], strides = [1, 1]} : vector<512x2048xf32> to vector<512x128xf32>
    %lt3A_506 = arith.cmpf olt, %slice3A_505, %broadcast_in_dim3A_486 : vector<512x128xf32>
    %select_n3A_507 = arith.select %lt3A_506, %slice3A_505, %broadcast_in_dim3A_486 : vector<512x128xi1>, vector<512x128xf32>
    %jit3A_508 = arith.constant 0 : i32
    %broadcast_in_dim3A_509 = vector.broadcast %jit3A_508 : i32 to vector<512x128xi32>
    %select_n3A_510 = arith.select %lt3A_506, %broadcast_in_dim3A_509, %broadcast_in_dim3A_488 : vector<512x128xi1>, vector<512x128xi32>
    %slice3A_511 = vector.extract_strided_slice %add3A_504 {offsets = [0, 128], sizes = [512, 128], strides = [1, 1]} : vector<512x2048xf32> to vector<512x128xf32>
    %lt3A_512 = arith.cmpf olt, %slice3A_511, %select_n3A_507 : vector<512x128xf32>
    %select_n3A_513 = arith.select %lt3A_512, %slice3A_511, %select_n3A_507 : vector<512x128xi1>, vector<512x128xf32>
    %jit3A_514 = arith.constant 1 : i32
    %broadcast_in_dim3A_515 = vector.broadcast %jit3A_514 : i32 to vector<512x128xi32>
    %select_n3A_516 = arith.select %lt3A_512, %broadcast_in_dim3A_515, %select_n3A_510 : vector<512x128xi1>, vector<512x128xi32>
    %slice3A_517 = vector.extract_strided_slice %add3A_504 {offsets = [0, 256], sizes = [512, 128], strides = [1, 1]} : vector<512x2048xf32> to vector<512x128xf32>
    %lt3A_518 = arith.cmpf olt, %slice3A_517, %select_n3A_513 : vector<512x128xf32>
    %select_n3A_519 = arith.select %lt3A_518, %slice3A_517, %select_n3A_513 : vector<512x128xi1>, vector<512x128xf32>
    %jit3A_520 = arith.constant 2 : i32
    %broadcast_in_dim3A_521 = vector.broadcast %jit3A_520 : i32 to vector<512x128xi32>
    %select_n3A_522 = arith.select %lt3A_518, %broadcast_in_dim3A_521, %select_n3A_516 : vector<512x128xi1>, vector<512x128xi32>
    %slice3A_523 = vector.extract_strided_slice %add3A_504 {offsets = [0, 384], sizes = [512, 128], strides = [1, 1]} : vector<512x2048xf32> to vector<512x128xf32>
    %lt3A_524 = arith.cmpf olt, %slice3A_523, %select_n3A_519 : vector<512x128xf32>
    %select_n3A_525 = arith.select %lt3A_524, %slice3A_523, %select_n3A_519 : vector<512x128xi1>, vector<512x128xf32>
    %jit3A_526 = arith.constant 3 : i32
    %broadcast_in_dim3A_527 = vector.broadcast %jit3A_526 : i32 to vector<512x128xi32>
    %select_n3A_528 = arith.select %lt3A_524, %broadcast_in_dim3A_527, %select_n3A_522 : vector<512x128xi1>, vector<512x128xi32>
    %slice3A_529 = vector.extract_strided_slice %add3A_504 {offsets = [0, 512], sizes = [512, 128], strides = [1, 1]} : vector<512x2048xf32> to vector<512x128xf32>
    %lt3A_530 = arith.cmpf olt, %slice3A_529, %select_n3A_525 : vector<512x128xf32>
    %select_n3A_531 = arith.select %lt3A_530, %slice3A_529, %select_n3A_525 : vector<512x128xi1>, vector<512x128xf32>
    %jit3A_532 = arith.constant 4 : i32
    %broadcast_in_dim3A_533 = vector.broadcast %jit3A_532 : i32 to vector<512x128xi32>
    %select_n3A_534 = arith.select %lt3A_530, %broadcast_in_dim3A_533, %select_n3A_528 : vector<512x128xi1>, vector<512x128xi32>
    %slice3A_535 = vector.extract_strided_slice %add3A_504 {offsets = [0, 640], sizes = [512, 128], strides = [1, 1]} : vector<512x2048xf32> to vector<512x128xf32>
    %lt3A_536 = arith.cmpf olt, %slice3A_535, %select_n3A_531 : vector<512x128xf32>
    %select_n3A_537 = arith.select %lt3A_536, %slice3A_535, %select_n3A_531 : vector<512x128xi1>, vector<512x128xf32>
    %jit3A_538 = arith.constant 5 : i32
    %broadcast_in_dim3A_539 = vector.broadcast %jit3A_538 : i32 to vector<512x128xi32>
    %select_n3A_540 = arith.select %lt3A_536, %broadcast_in_dim3A_539, %select_n3A_534 : vector<512x128xi1>, vector<512x128xi32>
    %slice3A_541 = vector.extract_strided_slice %add3A_504 {offsets = [0, 768], sizes = [512, 128], strides = [1, 1]} : vector<512x2048xf32> to vector<512x128xf32>
    %lt3A_542 = arith.cmpf olt, %slice3A_541, %select_n3A_537 : vector<512x128xf32>
    %select_n3A_543 = arith.select %lt3A_542, %slice3A_541, %select_n3A_537 : vector<512x128xi1>, vector<512x128xf32>
    %jit3A_544 = arith.constant 6 : i32
    %broadcast_in_dim3A_545 = vector.broadcast %jit3A_544 : i32 to vector<512x128xi32>
    %select_n3A_546 = arith.select %lt3A_542, %broadcast_in_dim3A_545, %select_n3A_540 : vector<512x128xi1>, vector<512x128xi32>
    %slice3A_547 = vector.extract_strided_slice %add3A_504 {offsets = [0, 896], sizes = [512, 128], strides = [1, 1]} : vector<512x2048xf32> to vector<512x128xf32>
    %lt3A_548 = arith.cmpf olt, %slice3A_547, %select_n3A_543 : vector<512x128xf32>
    %select_n3A_549 = arith.select %lt3A_548, %slice3A_547, %select_n3A_543 : vector<512x128xi1>, vector<512x128xf32>
    %jit3A_550 = arith.constant 7 : i32
    %broadcast_in_dim3A_551 = vector.broadcast %jit3A_550 : i32 to vector<512x128xi32>
    %select_n3A_552 = arith.select %lt3A_548, %broadcast_in_dim3A_551, %select_n3A_546 : vector<512x128xi1>, vector<512x128xi32>
    %slice3A_553 = vector.extract_strided_slice %add3A_504 {offsets = [0, 1024], sizes = [512, 128], strides = [1, 1]} : vector<512x2048xf32> to vector<512x128xf32>
    %lt3A_554 = arith.cmpf olt, %slice3A_553, %select_n3A_549 : vector<512x128xf32>
    %select_n3A_555 = arith.select %lt3A_554, %slice3A_553, %select_n3A_549 : vector<512x128xi1>, vector<512x128xf32>
    %jit3A_556 = arith.constant 8 : i32
    %broadcast_in_dim3A_557 = vector.broadcast %jit3A_556 : i32 to vector<512x128xi32>
    %select_n3A_558 = arith.select %lt3A_554, %broadcast_in_dim3A_557, %select_n3A_552 : vector<512x128xi1>, vector<512x128xi32>
    %slice3A_559 = vector.extract_strided_slice %add3A_504 {offsets = [0, 1152], sizes = [512, 128], strides = [1, 1]} : vector<512x2048xf32> to vector<512x128xf32>
    %lt3A_560 = arith.cmpf olt, %slice3A_559, %select_n3A_555 : vector<512x128xf32>
    %select_n3A_561 = arith.select %lt3A_560, %slice3A_559, %select_n3A_555 : vector<512x128xi1>, vector<512x128xf32>
    %jit3A_562 = arith.constant 9 : i32
    %broadcast_in_dim3A_563 = vector.broadcast %jit3A_562 : i32 to vector<512x128xi32>
    %select_n3A_564 = arith.select %lt3A_560, %broadcast_in_dim3A_563, %select_n3A_558 : vector<512x128xi1>, vector<512x128xi32>
    %slice3A_565 = vector.extract_strided_slice %add3A_504 {offsets = [0, 1280], sizes = [512, 128], strides = [1, 1]} : vector<512x2048xf32> to vector<512x128xf32>
    %lt3A_566 = arith.cmpf olt, %slice3A_565, %select_n3A_561 : vector<512x128xf32>
    %select_n3A_567 = arith.select %lt3A_566, %slice3A_565, %select_n3A_561 : vector<512x128xi1>, vector<512x128xf32>
    %jit3A_568 = arith.constant 10 : i32
    %broadcast_in_dim3A_569 = vector.broadcast %jit3A_568 : i32 to vector<512x128xi32>
    %select_n3A_570 = arith.select %lt3A_566, %broadcast_in_dim3A_569, %select_n3A_564 : vector<512x128xi1>, vector<512x128xi32>
    %slice3A_571 = vector.extract_strided_slice %add3A_504 {offsets = [0, 1408], sizes = [512, 128], strides = [1, 1]} : vector<512x2048xf32> to vector<512x128xf32>
    %lt3A_572 = arith.cmpf olt, %slice3A_571, %select_n3A_567 : vector<512x128xf32>
    %select_n3A_573 = arith.select %lt3A_572, %slice3A_571, %select_n3A_567 : vector<512x128xi1>, vector<512x128xf32>
    %jit3A_574 = arith.constant 11 : i32
    %broadcast_in_dim3A_575 = vector.broadcast %jit3A_574 : i32 to vector<512x128xi32>
    %select_n3A_576 = arith.select %lt3A_572, %broadcast_in_dim3A_575, %select_n3A_570 : vector<512x128xi1>, vector<512x128xi32>
    %slice3A_577 = vector.extract_strided_slice %add3A_504 {offsets = [0, 1536], sizes = [512, 128], strides = [1, 1]} : vector<512x2048xf32> to vector<512x128xf32>
    %lt3A_578 = arith.cmpf olt, %slice3A_577, %select_n3A_573 : vector<512x128xf32>
    %select_n3A_579 = arith.select %lt3A_578, %slice3A_577, %select_n3A_573 : vector<512x128xi1>, vector<512x128xf32>
    %jit3A_580 = arith.constant 12 : i32
    %broadcast_in_dim3A_581 = vector.broadcast %jit3A_580 : i32 to vector<512x128xi32>
    %select_n3A_582 = arith.select %lt3A_578, %broadcast_in_dim3A_581, %select_n3A_576 : vector<512x128xi1>, vector<512x128xi32>
    %slice3A_583 = vector.extract_strided_slice %add3A_504 {offsets = [0, 1664], sizes = [512, 128], strides = [1, 1]} : vector<512x2048xf32> to vector<512x128xf32>
    %lt3A_584 = arith.cmpf olt, %slice3A_583, %select_n3A_579 : vector<512x128xf32>
    %select_n3A_585 = arith.select %lt3A_584, %slice3A_583, %select_n3A_579 : vector<512x128xi1>, vector<512x128xf32>
    %jit3A_586 = arith.constant 13 : i32
    %broadcast_in_dim3A_587 = vector.broadcast %jit3A_586 : i32 to vector<512x128xi32>
    %select_n3A_588 = arith.select %lt3A_584, %broadcast_in_dim3A_587, %select_n3A_582 : vector<512x128xi1>, vector<512x128xi32>
    %slice3A_589 = vector.extract_strided_slice %add3A_504 {offsets = [0, 1792], sizes = [512, 128], strides = [1, 1]} : vector<512x2048xf32> to vector<512x128xf32>
    %lt3A_590 = arith.cmpf olt, %slice3A_589, %select_n3A_585 : vector<512x128xf32>
    %select_n3A_591 = arith.select %lt3A_590, %slice3A_589, %select_n3A_585 : vector<512x128xi1>, vector<512x128xf32>
    %jit3A_592 = arith.constant 14 : i32
    %broadcast_in_dim3A_593 = vector.broadcast %jit3A_592 : i32 to vector<512x128xi32>
    %select_n3A_594 = arith.select %lt3A_590, %broadcast_in_dim3A_593, %select_n3A_588 : vector<512x128xi1>, vector<512x128xi32>
    %slice3A_595 = vector.extract_strided_slice %add3A_504 {offsets = [0, 1920], sizes = [512, 128], strides = [1, 1]} : vector<512x2048xf32> to vector<512x128xf32>
    %lt3A_596 = arith.cmpf olt, %slice3A_595, %select_n3A_591 : vector<512x128xf32>
    %select_n3A_597 = arith.select %lt3A_596, %slice3A_595, %select_n3A_591 : vector<512x128xi1>, vector<512x128xf32>
    %jit3A_598 = arith.constant 15 : i32
    %broadcast_in_dim3A_599 = vector.broadcast %jit3A_598 : i32 to vector<512x128xi32>
    %select_n3A_600 = arith.select %lt3A_596, %broadcast_in_dim3A_599, %select_n3A_594 : vector<512x128xi1>, vector<512x128xi32>
    %get3A_601 = arith.constant 1 : index
    %get3A_602 = arith.constant 2048 : index
    %get3A_603 = vector.load %arg6[%get3A_601, %get3A_602] : memref<2x8192xf32, #tpu.memory_space<vmem>>, vector<1x2048xf32>
    %get3A_604 = vector.shape_cast %get3A_603 : vector<1x2048xf32> to vector<2048xf32>
    %get3A_605 = arith.constant 1 : index
    %get3A_606 = arith.constant 2048 : index
    %get3A_607 = arith.constant 0 : index
    %get3A_608 = vector.load %arg5[%get3A_605, %get3A_606, %get3A_607] : memref<2x8192x32xf32, #tpu.memory_space<vmem>>, vector<1x2048x32xf32>
    %get3A_609 = vector.shape_cast %get3A_608 : vector<1x2048x32xf32> to vector<2048x32xf32>
    %dot_general3A_610 = arith.constant dense<0.000000e+00> : vector<512x2048xf32>
    %dot_general3A_611 = tpu.matmul %convert_element_type3A_480, %get3A_609, %dot_general3A_610 {dimension_numbers = #tpu.dot_dimension_numbers<[1], [1], [0], [0], [0, 0, 1, 0], [], []>, transpose_lhs_hint = false} : vector<512x32xbf16>, vector<2048x32xf32>, vector<512x2048xf32> -> vector<512x2048xf32>
    %sub3A_612 = vector.broadcast %broadcast_in_dim3A_484 : vector<512x1xf32> to vector<512x2048xf32>
    %sub3A_613 = arith.subf %sub3A_612, %dot_general3A_611 : vector<512x2048xf32>
    %broadcast_in_dim3A_614 = vector.shape_cast %get3A_604 : vector<2048xf32> to vector<1x2048xf32>
    %add3A_615 = vector.broadcast %broadcast_in_dim3A_614 : vector<1x2048xf32> to vector<512x2048xf32>
    %add3A_616 = arith.addf %sub3A_613, %add3A_615 : vector<512x2048xf32>
    %slice3A_617 = vector.extract_strided_slice %add3A_616 {offsets = [0, 0], sizes = [512, 128], strides = [1, 1]} : vector<512x2048xf32> to vector<512x128xf32>
    %lt3A_618 = arith.cmpf olt, %slice3A_617, %select_n3A_597 : vector<512x128xf32>
    %select_n3A_619 = arith.select %lt3A_618, %slice3A_617, %select_n3A_597 : vector<512x128xi1>, vector<512x128xf32>
    %jit3A_620 = arith.constant 16 : i32
    %broadcast_in_dim3A_621 = vector.broadcast %jit3A_620 : i32 to vector<512x128xi32>
    %select_n3A_622 = arith.select %lt3A_618, %broadcast_in_dim3A_621, %select_n3A_600 : vector<512x128xi1>, vector<512x128xi32>
    %slice3A_623 = vector.extract_strided_slice %add3A_616 {offsets = [0, 128], sizes = [512, 128], strides = [1, 1]} : vector<512x2048xf32> to vector<512x128xf32>
    %lt3A_624 = arith.cmpf olt, %slice3A_623, %select_n3A_619 : vector<512x128xf32>
    %select_n3A_625 = arith.select %lt3A_624, %slice3A_623, %select_n3A_619 : vector<512x128xi1>, vector<512x128xf32>
    %jit3A_626 = arith.constant 17 : i32
    %broadcast_in_dim3A_627 = vector.broadcast %jit3A_626 : i32 to vector<512x128xi32>
    %select_n3A_628 = arith.select %lt3A_624, %broadcast_in_dim3A_627, %select_n3A_622 : vector<512x128xi1>, vector<512x128xi32>
    %slice3A_629 = vector.extract_strided_slice %add3A_616 {offsets = [0, 256], sizes = [512, 128], strides = [1, 1]} : vector<512x2048xf32> to vector<512x128xf32>
    %lt3A_630 = arith.cmpf olt, %slice3A_629, %select_n3A_625 : vector<512x128xf32>
    %select_n3A_631 = arith.select %lt3A_630, %slice3A_629, %select_n3A_625 : vector<512x128xi1>, vector<512x128xf32>
    %jit3A_632 = arith.constant 18 : i32
    %broadcast_in_dim3A_633 = vector.broadcast %jit3A_632 : i32 to vector<512x128xi32>
    %select_n3A_634 = arith.select %lt3A_630, %broadcast_in_dim3A_633, %select_n3A_628 : vector<512x128xi1>, vector<512x128xi32>
    %slice3A_635 = vector.extract_strided_slice %add3A_616 {offsets = [0, 384], sizes = [512, 128], strides = [1, 1]} : vector<512x2048xf32> to vector<512x128xf32>
    %lt3A_636 = arith.cmpf olt, %slice3A_635, %select_n3A_631 : vector<512x128xf32>
    %select_n3A_637 = arith.select %lt3A_636, %slice3A_635, %select_n3A_631 : vector<512x128xi1>, vector<512x128xf32>
    %jit3A_638 = arith.constant 19 : i32
    %broadcast_in_dim3A_639 = vector.broadcast %jit3A_638 : i32 to vector<512x128xi32>
    %select_n3A_640 = arith.select %lt3A_636, %broadcast_in_dim3A_639, %select_n3A_634 : vector<512x128xi1>, vector<512x128xi32>
    %slice3A_641 = vector.extract_strided_slice %add3A_616 {offsets = [0, 512], sizes = [512, 128], strides = [1, 1]} : vector<512x2048xf32> to vector<512x128xf32>
    %lt3A_642 = arith.cmpf olt, %slice3A_641, %select_n3A_637 : vector<512x128xf32>
    %select_n3A_643 = arith.select %lt3A_642, %slice3A_641, %select_n3A_637 : vector<512x128xi1>, vector<512x128xf32>
    %jit3A_644 = arith.constant 20 : i32
    %broadcast_in_dim3A_645 = vector.broadcast %jit3A_644 : i32 to vector<512x128xi32>
    %select_n3A_646 = arith.select %lt3A_642, %broadcast_in_dim3A_645, %select_n3A_640 : vector<512x128xi1>, vector<512x128xi32>
    %slice3A_647 = vector.extract_strided_slice %add3A_616 {offsets = [0, 640], sizes = [512, 128], strides = [1, 1]} : vector<512x2048xf32> to vector<512x128xf32>
    %lt3A_648 = arith.cmpf olt, %slice3A_647, %select_n3A_643 : vector<512x128xf32>
    %select_n3A_649 = arith.select %lt3A_648, %slice3A_647, %select_n3A_643 : vector<512x128xi1>, vector<512x128xf32>
    %jit3A_650 = arith.constant 21 : i32
    %broadcast_in_dim3A_651 = vector.broadcast %jit3A_650 : i32 to vector<512x128xi32>
    %select_n3A_652 = arith.select %lt3A_648, %broadcast_in_dim3A_651, %select_n3A_646 : vector<512x128xi1>, vector<512x128xi32>
    %slice3A_653 = vector.extract_strided_slice %add3A_616 {offsets = [0, 768], sizes = [512, 128], strides = [1, 1]} : vector<512x2048xf32> to vector<512x128xf32>
    %lt3A_654 = arith.cmpf olt, %slice3A_653, %select_n3A_649 : vector<512x128xf32>
    %select_n3A_655 = arith.select %lt3A_654, %slice3A_653, %select_n3A_649 : vector<512x128xi1>, vector<512x128xf32>
    %jit3A_656 = arith.constant 22 : i32
    %broadcast_in_dim3A_657 = vector.broadcast %jit3A_656 : i32 to vector<512x128xi32>
    %select_n3A_658 = arith.select %lt3A_654, %broadcast_in_dim3A_657, %select_n3A_652 : vector<512x128xi1>, vector<512x128xi32>
    %slice3A_659 = vector.extract_strided_slice %add3A_616 {offsets = [0, 896], sizes = [512, 128], strides = [1, 1]} : vector<512x2048xf32> to vector<512x128xf32>
    %lt3A_660 = arith.cmpf olt, %slice3A_659, %select_n3A_655 : vector<512x128xf32>
    %select_n3A_661 = arith.select %lt3A_660, %slice3A_659, %select_n3A_655 : vector<512x128xi1>, vector<512x128xf32>
    %jit3A_662 = arith.constant 23 : i32
    %broadcast_in_dim3A_663 = vector.broadcast %jit3A_662 : i32 to vector<512x128xi32>
    %select_n3A_664 = arith.select %lt3A_660, %broadcast_in_dim3A_663, %select_n3A_658 : vector<512x128xi1>, vector<512x128xi32>
    %slice3A_665 = vector.extract_strided_slice %add3A_616 {offsets = [0, 1024], sizes = [512, 128], strides = [1, 1]} : vector<512x2048xf32> to vector<512x128xf32>
    %lt3A_666 = arith.cmpf olt, %slice3A_665, %select_n3A_661 : vector<512x128xf32>
    %select_n3A_667 = arith.select %lt3A_666, %slice3A_665, %select_n3A_661 : vector<512x128xi1>, vector<512x128xf32>
    %jit3A_668 = arith.constant 24 : i32
    %broadcast_in_dim3A_669 = vector.broadcast %jit3A_668 : i32 to vector<512x128xi32>
    %select_n3A_670 = arith.select %lt3A_666, %broadcast_in_dim3A_669, %select_n3A_664 : vector<512x128xi1>, vector<512x128xi32>
    %slice3A_671 = vector.extract_strided_slice %add3A_616 {offsets = [0, 1152], sizes = [512, 128], strides = [1, 1]} : vector<512x2048xf32> to vector<512x128xf32>
    %lt3A_672 = arith.cmpf olt, %slice3A_671, %select_n3A_667 : vector<512x128xf32>
    %select_n3A_673 = arith.select %lt3A_672, %slice3A_671, %select_n3A_667 : vector<512x128xi1>, vector<512x128xf32>
    %jit3A_674 = arith.constant 25 : i32
    %broadcast_in_dim3A_675 = vector.broadcast %jit3A_674 : i32 to vector<512x128xi32>
    %select_n3A_676 = arith.select %lt3A_672, %broadcast_in_dim3A_675, %select_n3A_670 : vector<512x128xi1>, vector<512x128xi32>
    %slice3A_677 = vector.extract_strided_slice %add3A_616 {offsets = [0, 1280], sizes = [512, 128], strides = [1, 1]} : vector<512x2048xf32> to vector<512x128xf32>
    %lt3A_678 = arith.cmpf olt, %slice3A_677, %select_n3A_673 : vector<512x128xf32>
    %select_n3A_679 = arith.select %lt3A_678, %slice3A_677, %select_n3A_673 : vector<512x128xi1>, vector<512x128xf32>
    %jit3A_680 = arith.constant 26 : i32
    %broadcast_in_dim3A_681 = vector.broadcast %jit3A_680 : i32 to vector<512x128xi32>
    %select_n3A_682 = arith.select %lt3A_678, %broadcast_in_dim3A_681, %select_n3A_676 : vector<512x128xi1>, vector<512x128xi32>
    %slice3A_683 = vector.extract_strided_slice %add3A_616 {offsets = [0, 1408], sizes = [512, 128], strides = [1, 1]} : vector<512x2048xf32> to vector<512x128xf32>
    %lt3A_684 = arith.cmpf olt, %slice3A_683, %select_n3A_679 : vector<512x128xf32>
    %select_n3A_685 = arith.select %lt3A_684, %slice3A_683, %select_n3A_679 : vector<512x128xi1>, vector<512x128xf32>
    %jit3A_686 = arith.constant 27 : i32
    %broadcast_in_dim3A_687 = vector.broadcast %jit3A_686 : i32 to vector<512x128xi32>
    %select_n3A_688 = arith.select %lt3A_684, %broadcast_in_dim3A_687, %select_n3A_682 : vector<512x128xi1>, vector<512x128xi32>
    %slice3A_689 = vector.extract_strided_slice %add3A_616 {offsets = [0, 1536], sizes = [512, 128], strides = [1, 1]} : vector<512x2048xf32> to vector<512x128xf32>
    %lt3A_690 = arith.cmpf olt, %slice3A_689, %select_n3A_685 : vector<512x128xf32>
    %select_n3A_691 = arith.select %lt3A_690, %slice3A_689, %select_n3A_685 : vector<512x128xi1>, vector<512x128xf32>
    %jit3A_692 = arith.constant 28 : i32
    %broadcast_in_dim3A_693 = vector.broadcast %jit3A_692 : i32 to vector<512x128xi32>
    %select_n3A_694 = arith.select %lt3A_690, %broadcast_in_dim3A_693, %select_n3A_688 : vector<512x128xi1>, vector<512x128xi32>
    %slice3A_695 = vector.extract_strided_slice %add3A_616 {offsets = [0, 1664], sizes = [512, 128], strides = [1, 1]} : vector<512x2048xf32> to vector<512x128xf32>
    %lt3A_696 = arith.cmpf olt, %slice3A_695, %select_n3A_691 : vector<512x128xf32>
    %select_n3A_697 = arith.select %lt3A_696, %slice3A_695, %select_n3A_691 : vector<512x128xi1>, vector<512x128xf32>
    %jit3A_698 = arith.constant 29 : i32
    %broadcast_in_dim3A_699 = vector.broadcast %jit3A_698 : i32 to vector<512x128xi32>
    %select_n3A_700 = arith.select %lt3A_696, %broadcast_in_dim3A_699, %select_n3A_694 : vector<512x128xi1>, vector<512x128xi32>
    %slice3A_701 = vector.extract_strided_slice %add3A_616 {offsets = [0, 1792], sizes = [512, 128], strides = [1, 1]} : vector<512x2048xf32> to vector<512x128xf32>
    %lt3A_702 = arith.cmpf olt, %slice3A_701, %select_n3A_697 : vector<512x128xf32>
    %select_n3A_703 = arith.select %lt3A_702, %slice3A_701, %select_n3A_697 : vector<512x128xi1>, vector<512x128xf32>
    %jit3A_704 = arith.constant 30 : i32
    %broadcast_in_dim3A_705 = vector.broadcast %jit3A_704 : i32 to vector<512x128xi32>
    %select_n3A_706 = arith.select %lt3A_702, %broadcast_in_dim3A_705, %select_n3A_700 : vector<512x128xi1>, vector<512x128xi32>
    %slice3A_707 = vector.extract_strided_slice %add3A_616 {offsets = [0, 1920], sizes = [512, 128], strides = [1, 1]} : vector<512x2048xf32> to vector<512x128xf32>
    %lt3A_708 = arith.cmpf olt, %slice3A_707, %select_n3A_703 : vector<512x128xf32>
    %select_n3A_709 = arith.select %lt3A_708, %slice3A_707, %select_n3A_703 : vector<512x128xi1>, vector<512x128xf32>
    %jit3A_710 = arith.constant 31 : i32
    %broadcast_in_dim3A_711 = vector.broadcast %jit3A_710 : i32 to vector<512x128xi32>
    %select_n3A_712 = arith.select %lt3A_708, %broadcast_in_dim3A_711, %select_n3A_706 : vector<512x128xi1>, vector<512x128xi32>
    %get3A_713 = arith.constant 1 : index
    %get3A_714 = arith.constant 4096 : index
    %get3A_715 = vector.load %arg6[%get3A_713, %get3A_714] : memref<2x8192xf32, #tpu.memory_space<vmem>>, vector<1x2048xf32>
    %get3A_716 = vector.shape_cast %get3A_715 : vector<1x2048xf32> to vector<2048xf32>
    %get3A_717 = arith.constant 1 : index
    %get3A_718 = arith.constant 4096 : index
    %get3A_719 = arith.constant 0 : index
    %get3A_720 = vector.load %arg5[%get3A_717, %get3A_718, %get3A_719] : memref<2x8192x32xf32, #tpu.memory_space<vmem>>, vector<1x2048x32xf32>
    %get3A_721 = vector.shape_cast %get3A_720 : vector<1x2048x32xf32> to vector<2048x32xf32>
    %dot_general3A_722 = arith.constant dense<0.000000e+00> : vector<512x2048xf32>
    %dot_general3A_723 = tpu.matmul %convert_element_type3A_480, %get3A_721, %dot_general3A_722 {dimension_numbers = #tpu.dot_dimension_numbers<[1], [1], [0], [0], [0, 0, 1, 0], [], []>, transpose_lhs_hint = false} : vector<512x32xbf16>, vector<2048x32xf32>, vector<512x2048xf32> -> vector<512x2048xf32>
    %sub3A_724 = vector.broadcast %broadcast_in_dim3A_484 : vector<512x1xf32> to vector<512x2048xf32>
    %sub3A_725 = arith.subf %sub3A_724, %dot_general3A_723 : vector<512x2048xf32>
    %broadcast_in_dim3A_726 = vector.shape_cast %get3A_716 : vector<2048xf32> to vector<1x2048xf32>
    %add3A_727 = vector.broadcast %broadcast_in_dim3A_726 : vector<1x2048xf32> to vector<512x2048xf32>
    %add3A_728 = arith.addf %sub3A_725, %add3A_727 : vector<512x2048xf32>
    %slice3A_729 = vector.extract_strided_slice %add3A_728 {offsets = [0, 0], sizes = [512, 128], strides = [1, 1]} : vector<512x2048xf32> to vector<512x128xf32>
    %lt3A_730 = arith.cmpf olt, %slice3A_729, %select_n3A_709 : vector<512x128xf32>
    %select_n3A_731 = arith.select %lt3A_730, %slice3A_729, %select_n3A_709 : vector<512x128xi1>, vector<512x128xf32>
    %jit3A_732 = arith.constant 32 : i32
    %broadcast_in_dim3A_733 = vector.broadcast %jit3A_732 : i32 to vector<512x128xi32>
    %select_n3A_734 = arith.select %lt3A_730, %broadcast_in_dim3A_733, %select_n3A_712 : vector<512x128xi1>, vector<512x128xi32>
    %slice3A_735 = vector.extract_strided_slice %add3A_728 {offsets = [0, 128], sizes = [512, 128], strides = [1, 1]} : vector<512x2048xf32> to vector<512x128xf32>
    %lt3A_736 = arith.cmpf olt, %slice3A_735, %select_n3A_731 : vector<512x128xf32>
    %select_n3A_737 = arith.select %lt3A_736, %slice3A_735, %select_n3A_731 : vector<512x128xi1>, vector<512x128xf32>
    %jit3A_738 = arith.constant 33 : i32
    %broadcast_in_dim3A_739 = vector.broadcast %jit3A_738 : i32 to vector<512x128xi32>
    %select_n3A_740 = arith.select %lt3A_736, %broadcast_in_dim3A_739, %select_n3A_734 : vector<512x128xi1>, vector<512x128xi32>
    %slice3A_741 = vector.extract_strided_slice %add3A_728 {offsets = [0, 256], sizes = [512, 128], strides = [1, 1]} : vector<512x2048xf32> to vector<512x128xf32>
    %lt3A_742 = arith.cmpf olt, %slice3A_741, %select_n3A_737 : vector<512x128xf32>
    %select_n3A_743 = arith.select %lt3A_742, %slice3A_741, %select_n3A_737 : vector<512x128xi1>, vector<512x128xf32>
    %jit3A_744 = arith.constant 34 : i32
    %broadcast_in_dim3A_745 = vector.broadcast %jit3A_744 : i32 to vector<512x128xi32>
    %select_n3A_746 = arith.select %lt3A_742, %broadcast_in_dim3A_745, %select_n3A_740 : vector<512x128xi1>, vector<512x128xi32>
    %slice3A_747 = vector.extract_strided_slice %add3A_728 {offsets = [0, 384], sizes = [512, 128], strides = [1, 1]} : vector<512x2048xf32> to vector<512x128xf32>
    %lt3A_748 = arith.cmpf olt, %slice3A_747, %select_n3A_743 : vector<512x128xf32>
    %select_n3A_749 = arith.select %lt3A_748, %slice3A_747, %select_n3A_743 : vector<512x128xi1>, vector<512x128xf32>
    %jit3A_750 = arith.constant 35 : i32
    %broadcast_in_dim3A_751 = vector.broadcast %jit3A_750 : i32 to vector<512x128xi32>
    %select_n3A_752 = arith.select %lt3A_748, %broadcast_in_dim3A_751, %select_n3A_746 : vector<512x128xi1>, vector<512x128xi32>
    %slice3A_753 = vector.extract_strided_slice %add3A_728 {offsets = [0, 512], sizes = [512, 128], strides = [1, 1]} : vector<512x2048xf32> to vector<512x128xf32>
    %lt3A_754 = arith.cmpf olt, %slice3A_753, %select_n3A_749 : vector<512x128xf32>
    %select_n3A_755 = arith.select %lt3A_754, %slice3A_753, %select_n3A_749 : vector<512x128xi1>, vector<512x128xf32>
    %jit3A_756 = arith.constant 36 : i32
    %broadcast_in_dim3A_757 = vector.broadcast %jit3A_756 : i32 to vector<512x128xi32>
    %select_n3A_758 = arith.select %lt3A_754, %broadcast_in_dim3A_757, %select_n3A_752 : vector<512x128xi1>, vector<512x128xi32>
    %slice3A_759 = vector.extract_strided_slice %add3A_728 {offsets = [0, 640], sizes = [512, 128], strides = [1, 1]} : vector<512x2048xf32> to vector<512x128xf32>
    %lt3A_760 = arith.cmpf olt, %slice3A_759, %select_n3A_755 : vector<512x128xf32>
    %select_n3A_761 = arith.select %lt3A_760, %slice3A_759, %select_n3A_755 : vector<512x128xi1>, vector<512x128xf32>
    %jit3A_762 = arith.constant 37 : i32
    %broadcast_in_dim3A_763 = vector.broadcast %jit3A_762 : i32 to vector<512x128xi32>
    %select_n3A_764 = arith.select %lt3A_760, %broadcast_in_dim3A_763, %select_n3A_758 : vector<512x128xi1>, vector<512x128xi32>
    %slice3A_765 = vector.extract_strided_slice %add3A_728 {offsets = [0, 768], sizes = [512, 128], strides = [1, 1]} : vector<512x2048xf32> to vector<512x128xf32>
    %lt3A_766 = arith.cmpf olt, %slice3A_765, %select_n3A_761 : vector<512x128xf32>
    %select_n3A_767 = arith.select %lt3A_766, %slice3A_765, %select_n3A_761 : vector<512x128xi1>, vector<512x128xf32>
    %jit3A_768 = arith.constant 38 : i32
    %broadcast_in_dim3A_769 = vector.broadcast %jit3A_768 : i32 to vector<512x128xi32>
    %select_n3A_770 = arith.select %lt3A_766, %broadcast_in_dim3A_769, %select_n3A_764 : vector<512x128xi1>, vector<512x128xi32>
    %slice3A_771 = vector.extract_strided_slice %add3A_728 {offsets = [0, 896], sizes = [512, 128], strides = [1, 1]} : vector<512x2048xf32> to vector<512x128xf32>
    %lt3A_772 = arith.cmpf olt, %slice3A_771, %select_n3A_767 : vector<512x128xf32>
    %select_n3A_773 = arith.select %lt3A_772, %slice3A_771, %select_n3A_767 : vector<512x128xi1>, vector<512x128xf32>
    %jit3A_774 = arith.constant 39 : i32
    %broadcast_in_dim3A_775 = vector.broadcast %jit3A_774 : i32 to vector<512x128xi32>
    %select_n3A_776 = arith.select %lt3A_772, %broadcast_in_dim3A_775, %select_n3A_770 : vector<512x128xi1>, vector<512x128xi32>
    %slice3A_777 = vector.extract_strided_slice %add3A_728 {offsets = [0, 1024], sizes = [512, 128], strides = [1, 1]} : vector<512x2048xf32> to vector<512x128xf32>
    %lt3A_778 = arith.cmpf olt, %slice3A_777, %select_n3A_773 : vector<512x128xf32>
    %select_n3A_779 = arith.select %lt3A_778, %slice3A_777, %select_n3A_773 : vector<512x128xi1>, vector<512x128xf32>
    %jit3A_780 = arith.constant 40 : i32
    %broadcast_in_dim3A_781 = vector.broadcast %jit3A_780 : i32 to vector<512x128xi32>
    %select_n3A_782 = arith.select %lt3A_778, %broadcast_in_dim3A_781, %select_n3A_776 : vector<512x128xi1>, vector<512x128xi32>
    %slice3A_783 = vector.extract_strided_slice %add3A_728 {offsets = [0, 1152], sizes = [512, 128], strides = [1, 1]} : vector<512x2048xf32> to vector<512x128xf32>
    %lt3A_784 = arith.cmpf olt, %slice3A_783, %select_n3A_779 : vector<512x128xf32>
    %select_n3A_785 = arith.select %lt3A_784, %slice3A_783, %select_n3A_779 : vector<512x128xi1>, vector<512x128xf32>
    %jit3A_786 = arith.constant 41 : i32
    %broadcast_in_dim3A_787 = vector.broadcast %jit3A_786 : i32 to vector<512x128xi32>
    %select_n3A_788 = arith.select %lt3A_784, %broadcast_in_dim3A_787, %select_n3A_782 : vector<512x128xi1>, vector<512x128xi32>
    %slice3A_789 = vector.extract_strided_slice %add3A_728 {offsets = [0, 1280], sizes = [512, 128], strides = [1, 1]} : vector<512x2048xf32> to vector<512x128xf32>
    %lt3A_790 = arith.cmpf olt, %slice3A_789, %select_n3A_785 : vector<512x128xf32>
    %select_n3A_791 = arith.select %lt3A_790, %slice3A_789, %select_n3A_785 : vector<512x128xi1>, vector<512x128xf32>
    %jit3A_792 = arith.constant 42 : i32
    %broadcast_in_dim3A_793 = vector.broadcast %jit3A_792 : i32 to vector<512x128xi32>
    %select_n3A_794 = arith.select %lt3A_790, %broadcast_in_dim3A_793, %select_n3A_788 : vector<512x128xi1>, vector<512x128xi32>
    %slice3A_795 = vector.extract_strided_slice %add3A_728 {offsets = [0, 1408], sizes = [512, 128], strides = [1, 1]} : vector<512x2048xf32> to vector<512x128xf32>
    %lt3A_796 = arith.cmpf olt, %slice3A_795, %select_n3A_791 : vector<512x128xf32>
    %select_n3A_797 = arith.select %lt3A_796, %slice3A_795, %select_n3A_791 : vector<512x128xi1>, vector<512x128xf32>
    %jit3A_798 = arith.constant 43 : i32
    %broadcast_in_dim3A_799 = vector.broadcast %jit3A_798 : i32 to vector<512x128xi32>
    %select_n3A_800 = arith.select %lt3A_796, %broadcast_in_dim3A_799, %select_n3A_794 : vector<512x128xi1>, vector<512x128xi32>
    %slice3A_801 = vector.extract_strided_slice %add3A_728 {offsets = [0, 1536], sizes = [512, 128], strides = [1, 1]} : vector<512x2048xf32> to vector<512x128xf32>
    %lt3A_802 = arith.cmpf olt, %slice3A_801, %select_n3A_797 : vector<512x128xf32>
    %select_n3A_803 = arith.select %lt3A_802, %slice3A_801, %select_n3A_797 : vector<512x128xi1>, vector<512x128xf32>
    %jit3A_804 = arith.constant 44 : i32
    %broadcast_in_dim3A_805 = vector.broadcast %jit3A_804 : i32 to vector<512x128xi32>
    %select_n3A_806 = arith.select %lt3A_802, %broadcast_in_dim3A_805, %select_n3A_800 : vector<512x128xi1>, vector<512x128xi32>
    %slice3A_807 = vector.extract_strided_slice %add3A_728 {offsets = [0, 1664], sizes = [512, 128], strides = [1, 1]} : vector<512x2048xf32> to vector<512x128xf32>
    %lt3A_808 = arith.cmpf olt, %slice3A_807, %select_n3A_803 : vector<512x128xf32>
    %select_n3A_809 = arith.select %lt3A_808, %slice3A_807, %select_n3A_803 : vector<512x128xi1>, vector<512x128xf32>
    %jit3A_810 = arith.constant 45 : i32
    %broadcast_in_dim3A_811 = vector.broadcast %jit3A_810 : i32 to vector<512x128xi32>
    %select_n3A_812 = arith.select %lt3A_808, %broadcast_in_dim3A_811, %select_n3A_806 : vector<512x128xi1>, vector<512x128xi32>
    %slice3A_813 = vector.extract_strided_slice %add3A_728 {offsets = [0, 1792], sizes = [512, 128], strides = [1, 1]} : vector<512x2048xf32> to vector<512x128xf32>
    %lt3A_814 = arith.cmpf olt, %slice3A_813, %select_n3A_809 : vector<512x128xf32>
    %select_n3A_815 = arith.select %lt3A_814, %slice3A_813, %select_n3A_809 : vector<512x128xi1>, vector<512x128xf32>
    %jit3A_816 = arith.constant 46 : i32
    %broadcast_in_dim3A_817 = vector.broadcast %jit3A_816 : i32 to vector<512x128xi32>
    %select_n3A_818 = arith.select %lt3A_814, %broadcast_in_dim3A_817, %select_n3A_812 : vector<512x128xi1>, vector<512x128xi32>
    %slice3A_819 = vector.extract_strided_slice %add3A_728 {offsets = [0, 1920], sizes = [512, 128], strides = [1, 1]} : vector<512x2048xf32> to vector<512x128xf32>
    %lt3A_820 = arith.cmpf olt, %slice3A_819, %select_n3A_815 : vector<512x128xf32>
    %select_n3A_821 = arith.select %lt3A_820, %slice3A_819, %select_n3A_815 : vector<512x128xi1>, vector<512x128xf32>
    %jit3A_822 = arith.constant 47 : i32
    %broadcast_in_dim3A_823 = vector.broadcast %jit3A_822 : i32 to vector<512x128xi32>
    %select_n3A_824 = arith.select %lt3A_820, %broadcast_in_dim3A_823, %select_n3A_818 : vector<512x128xi1>, vector<512x128xi32>
    %get3A_825 = arith.constant 1 : index
    %get3A_826 = arith.constant 6144 : index
    %get3A_827 = vector.load %arg6[%get3A_825, %get3A_826] : memref<2x8192xf32, #tpu.memory_space<vmem>>, vector<1x2048xf32>
    %get3A_828 = vector.shape_cast %get3A_827 : vector<1x2048xf32> to vector<2048xf32>
    %get3A_829 = arith.constant 1 : index
    %get3A_830 = arith.constant 6144 : index
    %get3A_831 = arith.constant 0 : index
    %get3A_832 = vector.load %arg5[%get3A_829, %get3A_830, %get3A_831] : memref<2x8192x32xf32, #tpu.memory_space<vmem>>, vector<1x2048x32xf32>
    %get3A_833 = vector.shape_cast %get3A_832 : vector<1x2048x32xf32> to vector<2048x32xf32>
    %dot_general3A_834 = arith.constant dense<0.000000e+00> : vector<512x2048xf32>
    %dot_general3A_835 = tpu.matmul %convert_element_type3A_480, %get3A_833, %dot_general3A_834 {dimension_numbers = #tpu.dot_dimension_numbers<[1], [1], [0], [0], [0, 0, 1, 0], [], []>, transpose_lhs_hint = false} : vector<512x32xbf16>, vector<2048x32xf32>, vector<512x2048xf32> -> vector<512x2048xf32>
    %sub3A_836 = vector.broadcast %broadcast_in_dim3A_484 : vector<512x1xf32> to vector<512x2048xf32>
    %sub3A_837 = arith.subf %sub3A_836, %dot_general3A_835 : vector<512x2048xf32>
    %broadcast_in_dim3A_838 = vector.shape_cast %get3A_828 : vector<2048xf32> to vector<1x2048xf32>
    %add3A_839 = vector.broadcast %broadcast_in_dim3A_838 : vector<1x2048xf32> to vector<512x2048xf32>
    %add3A_840 = arith.addf %sub3A_837, %add3A_839 : vector<512x2048xf32>
    %slice3A_841 = vector.extract_strided_slice %add3A_840 {offsets = [0, 0], sizes = [512, 128], strides = [1, 1]} : vector<512x2048xf32> to vector<512x128xf32>
    %lt3A_842 = arith.cmpf olt, %slice3A_841, %select_n3A_821 : vector<512x128xf32>
    %select_n3A_843 = arith.select %lt3A_842, %slice3A_841, %select_n3A_821 : vector<512x128xi1>, vector<512x128xf32>
    %jit3A_844 = arith.constant 48 : i32
    %broadcast_in_dim3A_845 = vector.broadcast %jit3A_844 : i32 to vector<512x128xi32>
    %select_n3A_846 = arith.select %lt3A_842, %broadcast_in_dim3A_845, %select_n3A_824 : vector<512x128xi1>, vector<512x128xi32>
    %slice3A_847 = vector.extract_strided_slice %add3A_840 {offsets = [0, 128], sizes = [512, 128], strides = [1, 1]} : vector<512x2048xf32> to vector<512x128xf32>
    %lt3A_848 = arith.cmpf olt, %slice3A_847, %select_n3A_843 : vector<512x128xf32>
    %select_n3A_849 = arith.select %lt3A_848, %slice3A_847, %select_n3A_843 : vector<512x128xi1>, vector<512x128xf32>
    %jit3A_850 = arith.constant 49 : i32
    %broadcast_in_dim3A_851 = vector.broadcast %jit3A_850 : i32 to vector<512x128xi32>
    %select_n3A_852 = arith.select %lt3A_848, %broadcast_in_dim3A_851, %select_n3A_846 : vector<512x128xi1>, vector<512x128xi32>
    %slice3A_853 = vector.extract_strided_slice %add3A_840 {offsets = [0, 256], sizes = [512, 128], strides = [1, 1]} : vector<512x2048xf32> to vector<512x128xf32>
    %lt3A_854 = arith.cmpf olt, %slice3A_853, %select_n3A_849 : vector<512x128xf32>
    %select_n3A_855 = arith.select %lt3A_854, %slice3A_853, %select_n3A_849 : vector<512x128xi1>, vector<512x128xf32>
    %jit3A_856 = arith.constant 50 : i32
    %broadcast_in_dim3A_857 = vector.broadcast %jit3A_856 : i32 to vector<512x128xi32>
    %select_n3A_858 = arith.select %lt3A_854, %broadcast_in_dim3A_857, %select_n3A_852 : vector<512x128xi1>, vector<512x128xi32>
    %slice3A_859 = vector.extract_strided_slice %add3A_840 {offsets = [0, 384], sizes = [512, 128], strides = [1, 1]} : vector<512x2048xf32> to vector<512x128xf32>
    %lt3A_860 = arith.cmpf olt, %slice3A_859, %select_n3A_855 : vector<512x128xf32>
    %select_n3A_861 = arith.select %lt3A_860, %slice3A_859, %select_n3A_855 : vector<512x128xi1>, vector<512x128xf32>
    %jit3A_862 = arith.constant 51 : i32
    %broadcast_in_dim3A_863 = vector.broadcast %jit3A_862 : i32 to vector<512x128xi32>
    %select_n3A_864 = arith.select %lt3A_860, %broadcast_in_dim3A_863, %select_n3A_858 : vector<512x128xi1>, vector<512x128xi32>
    %slice3A_865 = vector.extract_strided_slice %add3A_840 {offsets = [0, 512], sizes = [512, 128], strides = [1, 1]} : vector<512x2048xf32> to vector<512x128xf32>
    %lt3A_866 = arith.cmpf olt, %slice3A_865, %select_n3A_861 : vector<512x128xf32>
    %select_n3A_867 = arith.select %lt3A_866, %slice3A_865, %select_n3A_861 : vector<512x128xi1>, vector<512x128xf32>
    %jit3A_868 = arith.constant 52 : i32
    %broadcast_in_dim3A_869 = vector.broadcast %jit3A_868 : i32 to vector<512x128xi32>
    %select_n3A_870 = arith.select %lt3A_866, %broadcast_in_dim3A_869, %select_n3A_864 : vector<512x128xi1>, vector<512x128xi32>
    %slice3A_871 = vector.extract_strided_slice %add3A_840 {offsets = [0, 640], sizes = [512, 128], strides = [1, 1]} : vector<512x2048xf32> to vector<512x128xf32>
    %lt3A_872 = arith.cmpf olt, %slice3A_871, %select_n3A_867 : vector<512x128xf32>
    %select_n3A_873 = arith.select %lt3A_872, %slice3A_871, %select_n3A_867 : vector<512x128xi1>, vector<512x128xf32>
    %jit3A_874 = arith.constant 53 : i32
    %broadcast_in_dim3A_875 = vector.broadcast %jit3A_874 : i32 to vector<512x128xi32>
    %select_n3A_876 = arith.select %lt3A_872, %broadcast_in_dim3A_875, %select_n3A_870 : vector<512x128xi1>, vector<512x128xi32>
    %slice3A_877 = vector.extract_strided_slice %add3A_840 {offsets = [0, 768], sizes = [512, 128], strides = [1, 1]} : vector<512x2048xf32> to vector<512x128xf32>
    %lt3A_878 = arith.cmpf olt, %slice3A_877, %select_n3A_873 : vector<512x128xf32>
    %select_n3A_879 = arith.select %lt3A_878, %slice3A_877, %select_n3A_873 : vector<512x128xi1>, vector<512x128xf32>
    %jit3A_880 = arith.constant 54 : i32
    %broadcast_in_dim3A_881 = vector.broadcast %jit3A_880 : i32 to vector<512x128xi32>
    %select_n3A_882 = arith.select %lt3A_878, %broadcast_in_dim3A_881, %select_n3A_876 : vector<512x128xi1>, vector<512x128xi32>
    %slice3A_883 = vector.extract_strided_slice %add3A_840 {offsets = [0, 896], sizes = [512, 128], strides = [1, 1]} : vector<512x2048xf32> to vector<512x128xf32>
    %lt3A_884 = arith.cmpf olt, %slice3A_883, %select_n3A_879 : vector<512x128xf32>
    %select_n3A_885 = arith.select %lt3A_884, %slice3A_883, %select_n3A_879 : vector<512x128xi1>, vector<512x128xf32>
    %jit3A_886 = arith.constant 55 : i32
    %broadcast_in_dim3A_887 = vector.broadcast %jit3A_886 : i32 to vector<512x128xi32>
    %select_n3A_888 = arith.select %lt3A_884, %broadcast_in_dim3A_887, %select_n3A_882 : vector<512x128xi1>, vector<512x128xi32>
    %slice3A_889 = vector.extract_strided_slice %add3A_840 {offsets = [0, 1024], sizes = [512, 128], strides = [1, 1]} : vector<512x2048xf32> to vector<512x128xf32>
    %lt3A_890 = arith.cmpf olt, %slice3A_889, %select_n3A_885 : vector<512x128xf32>
    %select_n3A_891 = arith.select %lt3A_890, %slice3A_889, %select_n3A_885 : vector<512x128xi1>, vector<512x128xf32>
    %jit3A_892 = arith.constant 56 : i32
    %broadcast_in_dim3A_893 = vector.broadcast %jit3A_892 : i32 to vector<512x128xi32>
    %select_n3A_894 = arith.select %lt3A_890, %broadcast_in_dim3A_893, %select_n3A_888 : vector<512x128xi1>, vector<512x128xi32>
    %slice3A_895 = vector.extract_strided_slice %add3A_840 {offsets = [0, 1152], sizes = [512, 128], strides = [1, 1]} : vector<512x2048xf32> to vector<512x128xf32>
    %lt3A_896 = arith.cmpf olt, %slice3A_895, %select_n3A_891 : vector<512x128xf32>
    %select_n3A_897 = arith.select %lt3A_896, %slice3A_895, %select_n3A_891 : vector<512x128xi1>, vector<512x128xf32>
    %jit3A_898 = arith.constant 57 : i32
    %broadcast_in_dim3A_899 = vector.broadcast %jit3A_898 : i32 to vector<512x128xi32>
    %select_n3A_900 = arith.select %lt3A_896, %broadcast_in_dim3A_899, %select_n3A_894 : vector<512x128xi1>, vector<512x128xi32>
    %slice3A_901 = vector.extract_strided_slice %add3A_840 {offsets = [0, 1280], sizes = [512, 128], strides = [1, 1]} : vector<512x2048xf32> to vector<512x128xf32>
    %lt3A_902 = arith.cmpf olt, %slice3A_901, %select_n3A_897 : vector<512x128xf32>
    %select_n3A_903 = arith.select %lt3A_902, %slice3A_901, %select_n3A_897 : vector<512x128xi1>, vector<512x128xf32>
    %jit3A_904 = arith.constant 58 : i32
    %broadcast_in_dim3A_905 = vector.broadcast %jit3A_904 : i32 to vector<512x128xi32>
    %select_n3A_906 = arith.select %lt3A_902, %broadcast_in_dim3A_905, %select_n3A_900 : vector<512x128xi1>, vector<512x128xi32>
    %slice3A_907 = vector.extract_strided_slice %add3A_840 {offsets = [0, 1408], sizes = [512, 128], strides = [1, 1]} : vector<512x2048xf32> to vector<512x128xf32>
    %lt3A_908 = arith.cmpf olt, %slice3A_907, %select_n3A_903 : vector<512x128xf32>
    %select_n3A_909 = arith.select %lt3A_908, %slice3A_907, %select_n3A_903 : vector<512x128xi1>, vector<512x128xf32>
    %jit3A_910 = arith.constant 59 : i32
    %broadcast_in_dim3A_911 = vector.broadcast %jit3A_910 : i32 to vector<512x128xi32>
    %select_n3A_912 = arith.select %lt3A_908, %broadcast_in_dim3A_911, %select_n3A_906 : vector<512x128xi1>, vector<512x128xi32>
    %slice3A_913 = vector.extract_strided_slice %add3A_840 {offsets = [0, 1536], sizes = [512, 128], strides = [1, 1]} : vector<512x2048xf32> to vector<512x128xf32>
    %lt3A_914 = arith.cmpf olt, %slice3A_913, %select_n3A_909 : vector<512x128xf32>
    %select_n3A_915 = arith.select %lt3A_914, %slice3A_913, %select_n3A_909 : vector<512x128xi1>, vector<512x128xf32>
    %jit3A_916 = arith.constant 60 : i32
    %broadcast_in_dim3A_917 = vector.broadcast %jit3A_916 : i32 to vector<512x128xi32>
    %select_n3A_918 = arith.select %lt3A_914, %broadcast_in_dim3A_917, %select_n3A_912 : vector<512x128xi1>, vector<512x128xi32>
    %slice3A_919 = vector.extract_strided_slice %add3A_840 {offsets = [0, 1664], sizes = [512, 128], strides = [1, 1]} : vector<512x2048xf32> to vector<512x128xf32>
    %lt3A_920 = arith.cmpf olt, %slice3A_919, %select_n3A_915 : vector<512x128xf32>
    %select_n3A_921 = arith.select %lt3A_920, %slice3A_919, %select_n3A_915 : vector<512x128xi1>, vector<512x128xf32>
    %jit3A_922 = arith.constant 61 : i32
    %broadcast_in_dim3A_923 = vector.broadcast %jit3A_922 : i32 to vector<512x128xi32>
    %select_n3A_924 = arith.select %lt3A_920, %broadcast_in_dim3A_923, %select_n3A_918 : vector<512x128xi1>, vector<512x128xi32>
    %slice3A_925 = vector.extract_strided_slice %add3A_840 {offsets = [0, 1792], sizes = [512, 128], strides = [1, 1]} : vector<512x2048xf32> to vector<512x128xf32>
    %lt3A_926 = arith.cmpf olt, %slice3A_925, %select_n3A_921 : vector<512x128xf32>
    %select_n3A_927 = arith.select %lt3A_926, %slice3A_925, %select_n3A_921 : vector<512x128xi1>, vector<512x128xf32>
    %jit3A_928 = arith.constant 62 : i32
    %broadcast_in_dim3A_929 = vector.broadcast %jit3A_928 : i32 to vector<512x128xi32>
    %select_n3A_930 = arith.select %lt3A_926, %broadcast_in_dim3A_929, %select_n3A_924 : vector<512x128xi1>, vector<512x128xi32>
    %slice3A_931 = vector.extract_strided_slice %add3A_840 {offsets = [0, 1920], sizes = [512, 128], strides = [1, 1]} : vector<512x2048xf32> to vector<512x128xf32>
    %lt3A_932 = arith.cmpf olt, %slice3A_931, %select_n3A_927 : vector<512x128xf32>
    %select_n3A_933 = arith.select %lt3A_932, %slice3A_931, %select_n3A_927 : vector<512x128xi1>, vector<512x128xf32>
    %jit3A_934 = arith.constant 63 : i32
    %broadcast_in_dim3A_935 = vector.broadcast %jit3A_934 : i32 to vector<512x128xi32>
    %select_n3A_936 = arith.select %lt3A_932, %broadcast_in_dim3A_935, %select_n3A_930 : vector<512x128xi1>, vector<512x128xi32>
    %reduce_min3A_937 = arith.constant dense<0x7F800000> : vector<512xf32>
    %reduce_min3A_938 = vector.multi_reduction <minimumf>, %select_n3A_933, %reduce_min3A_937 [1] : vector<512x128xf32> to vector<512xf32>
    %mul3A_939 = arith.constant 128 : i32
    %mul3A_940 = vector.broadcast %mul3A_939 : i32 to vector<512x128xi32>
    %mul3A_941 = arith.muli %select_n3A_936, %mul3A_940 : vector<512x128xi32>
    %add3A_942 = arith.addi %mul3A_941, %iota3A : vector<512x128xi32>
    %broadcast_in_dim3A_943 = vector.shape_cast %reduce_min3A_938 : vector<512xf32> to vector<512x1xf32>
    %eq3A_944 = vector.broadcast %broadcast_in_dim3A_943 : vector<512x1xf32> to vector<512x128xf32>
    %eq3A_945 = arith.cmpf oeq, %select_n3A_933, %eq3A_944 : vector<512x128xf32>
    %jit3A_946 = arith.constant 16384 : i32
    %broadcast_in_dim3A_947 = vector.broadcast %jit3A_946 : i32 to vector<512x128xi32>
    %select_n3A_948 = arith.select %eq3A_945, %add3A_942, %broadcast_in_dim3A_947 : vector<512x128xi1>, vector<512x128xi32>
    %reduce_min3A_949 = arith.constant dense<2147483647> : vector<512xi32>
    %reduce_min3A_950 = vector.multi_reduction <minsi>, %select_n3A_948, %reduce_min3A_949 [1] : vector<512x128xi32> to vector<512xi32>
    %add3A_951 = arith.constant 8192 : i32
    %add3A_952 = vector.broadcast %add3A_951 : i32 to vector<512xi32>
    %add3A_953 = arith.addi %reduce_min3A_950, %add3A_952 : vector<512xi32>
    %swap3A_954 = arith.constant 0 : index
    %swap3A_955 = arith.constant 1 : index
    %swap3A_956 = arith.constant 0 : index
    %swap3A_957 = vector.load %arg4[%swap3A_954, %swap3A_955, %swap3A_956] : memref<1x2x512xi32, #tpu.memory_space<vmem>>, vector<1x1x512xi32>
    %swap3A_958 = vector.shape_cast %swap3A_957 : vector<1x1x512xi32> to vector<512xi32>
    %swap3A_959 = vector.shape_cast %add3A_953 : vector<512xi32> to vector<1x1x512xi32>
    tpu.vector_store %arg4[%swap3A_954, %swap3A_955, %swap3A_956], %swap3A_959 {strides = array<i32>} : memref<1x2x512xi32, #tpu.memory_space<vmem>>, vector<1x1x512xi32>,
    return
  }
  func.func @transform_0(%arg0: i32) -> (i32, i32) {
    %c0_i32 = arith.constant 0 : i32
    %c0_i32_0 = arith.constant 0 : i32
    return %arg0, %c0_i32 : i32, i32
  }
  func.func @transform_1(%arg0: i32) -> (i32, i32) {
    %c0_i32 = arith.constant 0 : i32
    %c0_i32_0 = arith.constant 0 : i32
    %c0_i32_1 = arith.constant 0 : i32
    return %c0_i32, %c0_i32_0 : i32, i32
  }
  func.func @transform_2(%arg0: i32) -> (i32, i32, i32) {
    %c0_i32 = arith.constant 0 : i32
    %c0_i32_0 = arith.constant 0 : i32
    %c0_i32_1 = arith.constant 0 : i32
    %c0_i32_2 = arith.constant 0 : i32
    return %c0_i32, %c0_i32_0, %c0_i32_1 : i32, i32, i32
  }
  func.func @transform_3(%arg0: i32) -> (i32, i32, i32) {
    %c0_i32 = arith.constant 0 : i32
    %c0_i32_0 = arith.constant 0 : i32
    %c0_i32_1 = arith.constant 0 : i32
    return %arg0, %c0_i32, %c0_i32_0 : i32, i32, i32
  }
}

</mosaic_0001>

<sc_bundles>
// kernel: kernel.4.cloned.1.call-start
scs
__scs_entry_jumppad:
0x0: {  	(pc) =	sbr.rel $0x88, $3  }
0x1: {  	(tag) =	ssettag $0x0;
	lr =	simm.s32 $0x1  }
0x2: {  	[smem:$0x3F9D] =	sst lr;
	_ =	strace $0xD0000000  }
0x3: {  	_ = 	snop  }
0x4: {  	_ = 	snop  }
0x5: {  	_ = 	snop  }
0x6: {  	_ = 	snop  }
0x7: {  	_ = 	snop  }
__scs_overlays_trampoline_lowered:
0x8: {  	[smem:$0x3FAC] =	sst s0  }
0x9: {  	[smem:$0x3FAD] =	sst s1  }
0xa: {  	[smem:$0x3FAE] =	sst s2  }
0xb: {  	[smem:$0x3FAF] =	sst s3  }
0xc: {  	[smem:$0x3FB0] =	sst s4  }
0xd: {  	[smem:$0x3FB1] =	sst s5  }
0xe: {  	[smem:$0x3FB2] =	sst s6  }
0xf: {  	[smem:$0x3FB3] =	sst s7  }
0x10: {  	[smem:$0x3FB4] =	sst s8  }
0x11: {  	[smem:$0x3FB5] =	sst s9;
	s0 =	simm.s32 @!p0 $0x0  }
0x12: {  	s1 =	sld [smem:$0x3F9B];
	s0 =	simm.s32 @p0 $0x1  }
0x13: {  	[smem:$0x3FB6] =	sst s0;
	s0 =	simm.s32 @!p1 $0x0  }
0x14: {  	s2 =	sld [smem:$0x3F9A];
	s0 =	simm.s32 @p1 $0x1  }
0x15: {  	[smem:$0x3FB7] =	sst s0;
	s0 =	simm.s32 @!p2 $0x0  }
0x16: {  	s3 =	sld [smem:$0x3FDB];
	s0 =	simm.s32 @p2 $0x1  }
0x17: {  	s4 =	simm.s32 $0x1BF5;
	[smem:$0x3FB9] =	sst s0  }
0x18: {  	s0 =	sld [smem:$0x3F9C];
	_ =	swait.ge [sflag:s4], $0x0  }
0x19: {  	s7 =	sld [smem:$0x3F9D]  }
0x1a: {  	s8 =	sadd.s32 $0xFFFFE003, lr  }
0x1b: {  	s9 =	sadd.s32 $0xFFFFFEF7, lr;
	s5 =	simm.s32 $0xFFFFFFFF;
	p2 =	slt.u32 s8, $0xFFFFF086  }
0x1c: {  	p1 =	slt.u32 s9, $0xF7A;
	s5 =	simm.s32 @!p2 $0x0  }
0x1d: {  	s5 =	simm.s32 @p1 $0x1;
	p0 =	seq.s32 s7, s2  }
0x1e: {  	s7 =	smul.u32 @!p0 $0xF7A, s2;
	p2 =	seq.s32 @!p0 s5, $0x0  }
0x1f: {  	s9 =	smul.u32 $0xF7A, s1;
	s8 =	simm.s32 @!p0 $0x1BF5;
	p2 =	por !p2, p0  }
0x20: {  	[sflag:s8] =	ssyncset.s32 @!p0 $0xFFFFF086;
	s6 =	sadd.s32 @!p0 s3, s7;
	s7 =	simm.s32 @!p0 $0x108  }
0x21: {  	s3 =	sadd.s32 s3, s9;
	s6 =	sadd.s32 @!p0 $0x88, s6;
	s7 =	simm.s32 @p2 $0x1082  }
0x22: {  	[simem:s7], [sflag:s8] =	dma.local @!p0 [hbm:s6], $0xF7A  }
0x23: {  	s9 =	sor.u32 $0xD0000000, s2;
	s6 =	simm.s32 $0x108;
	_ =	swait.ge @!p0 [sflag:s8], $0x0  }
0x24: {  	s3 =	sadd.s32 $0x88, s3;
	s6 =	simm.s32 @!p1 $0x1082;
	[sflag:s4] =	ssyncset.s32 $0xFFFFF086  }
0x25: {  	[simem:s6], [sflag:s4] =	dma.local [hbm:s3], $0xF7A  }
0x26: {  	[smem:$0x3F9D] =	sst s1;
	(tag) =	ssettag s2;
	_ =	strace s9  }
0x27: {  	s1 =	sld [smem:$0x3FAD]  }
0x28: {  	s2 =	sld [smem:$0x3FAE]  }
0x29: {  	s4 =	sld [smem:$0x3FB0]  }
0x2a: {  	p0 =	seq.s32 s5, $0x0;
	s5 =	sld [smem:$0x3FB1]  }
0x2b: {  	s6 =	sld [smem:$0x3FB2]  }
0x2c: {  	s7 =	sld [smem:$0x3FB3]  }
0x2d: {  	s3 =	simm.s32 $0x108;
	s8 =	sld [smem:$0x3FB4]  }
0x2e: {  	s3 =	simm.s32 @!p0 $0x1082;
	s9 =	sld [smem:$0x3FB5]  }
0x2f: {  	lr =	sadd.s32 s0, s3;
	s0 =	sld [smem:$0x3FAC]  }
0x30: {  	s3 =	sld [smem:$0x3FAF]  }
0x31: {  	[smem:$0x3FB8] =	sst s10  }
0x32: {  	s10 =	sld [smem:$0x3FB6];
	_ =	sdelay $0x3  }
0x33: {  	p0 =	seq.s32 s10, $0x1;
	s10 =	sld [smem:$0x3FB8];
	_ =	sdelay $0x3  }
0x34: {  	[smem:$0x3FB8] =	sst s10  }
0x35: {  	s10 =	sld [smem:$0x3FB7];
	_ =	sdelay $0x3  }
0x36: {  	p1 =	seq.s32 s10, $0x1;
	s10 =	sld [smem:$0x3FB8];
	_ =	sdelay $0x3  }
0x37: {  	[smem:$0x3FB8] =	sst s10  }
0x38: {  	s10 =	sld [smem:$0x3FB9]  }
0x39: {  	_ = 	snop;
	(pc) =	sbr.ind lr, $3  }
0x3a: {  	_ = 	snop  }
0x3b: {  	_ = 	snop  }
0x3c: {  	p2 =	seq.s32 s10, $0x1;
	s10 =	sld [smem:$0x3FB8]  }
0x3d: {  	_ =	shalt  }
0x3e: {  	_ =	shalt  }
0x3f: {  	_ =	shalt  }
0x40: {  	_ =	shalt  }
0x41: {  	_ =	shalt  }
0x42: {  	_ =	shalt  }
0x43: {  	_ =	shalt  }
0x44: {  	_ =	shalt  }
0x45: {  	_ =	shalt  }
0x46: {  	_ =	shalt  }
0x47: {  	_ =	shalt  }
0x48: {  	_ =	shalt  }
0x49: {  	_ =	shalt  }
0x4a: {  	_ =	shalt  }
0x4b: {  	_ =	shalt  }
0x4c: {  	_ =	shalt  }
0x4d: {  	_ =	shalt  }
0x4e: {  	_ =	shalt  }
0x4f: {  	_ =	shalt  }
0x50: {  	_ =	shalt  }
0x51: {  	_ =	shalt  }
0x52: {  	_ =	shalt  }
0x53: {  	_ =	shalt  }
0x54: {  	_ =	shalt  }
0x55: {  	_ =	shalt  }
0x56: {  	_ =	shalt  }
0x57: {  	_ =	shalt  }
0x58: {  	_ =	shalt  }
0x59: {  	_ =	shalt  }
0x5a: {  	_ =	shalt  }
0x5b: {  	_ =	shalt  }
0x5c: {  	_ =	shalt  }
0x5d: {  	_ =	shalt  }
0x5e: {  	_ =	shalt  }
0x5f: {  	_ =	shalt  }
0x60: {  	_ =	shalt  }
0x61: {  	_ =	shalt  }
0x62: {  	_ =	shalt  }
0x63: {  	_ =	shalt  }
0x64: {  	_ =	shalt  }
0x65: {  	_ =	shalt  }
0x66: {  	_ =	shalt  }
0x67: {  	_ =	shalt  }
0x68: {  	_ =	shalt  }
0x69: {  	_ =	shalt  }
0x6a: {  	_ =	shalt  }
0x6b: {  	_ =	shalt  }
0x6c: {  	_ =	shalt  }
0x6d: {  	_ =	shalt  }
0x6e: {  	_ =	shalt  }
0x6f: {  	_ =	shalt  }
0x70: {  	_ =	shalt  }
0x71: {  	_ =	shalt  }
0x72: {  	_ =	shalt  }
0x73: {  	_ =	shalt  }
0x74: {  	_ =	shalt  }
0x75: {  	_ =	shalt  }
0x76: {  	_ =	shalt  }
0x77: {  	_ =	shalt  }
0x78: {  	_ =	shalt  }
0x79: {  	_ =	shalt  }
0x7a: {  	_ =	shalt  }
0x7b: {  	_ =	shalt  }
0x7c: {  	_ =	shalt  }
0x7d: {  	_ =	shalt  }
0x7e: {  	_ =	shalt  }
0x7f: {  	_ =	shalt  }
0x80: {  	_ =	shalt  }
0x81: {  	_ =	shalt  }
0x82: {  	_ =	shalt  }
0x83: {  	_ =	shalt  }
0x84: {  	_ =	shalt  }
0x85: {  	_ =	shalt  }
0x86: {  	_ =	shalt  }
0x87: {  	_ =	shalt  }
.Lfunc_end0:
.L_simem_size_0:
called_computation_lowered:
.L_overlay_start_0:
0x88: {  	s2 =	sld [smem:$0x3FD9]  }
0x89: {  	s3 =	sld [smem:$0x3FFE];
	_ =	sdelay $0x1  }
0x8a: {  	s1 =	srdreg.scid  }
0x8b: {  	s0 =	sand.u32 $0x1, s1  }
0x8c: {  	s17 =	sshll.u32 s0, $0xA;
	s2 =	sadd.s32 s3, s2  }
0x8d: {  	s2 =	sadd.s32 s2, s17  }
0x8e: {  	[smem:$0x3FC4] =	sst s2  }
0x8f: {  	_ = 	snop  }
0x90: {  	s2 =	sld [smem:$0x3FD0];
	(tm) =	ssettm $0x1  }
0x91: {  	s18 =	sld [smem:$0x3FFB];
	_ =	sdelay $0x3  }
0x92: {  	_ =	strace s18  }
0x93: {  	s3 =	sld [smem:$0x3FFC];
	_ =	sdelay $0x3  }
0x94: {  	_ =	strace s3  }
0x95: {  	s3 =	sld [smem:$0x3FFD];
	_ =	sdelay $0x3  }
0x96: {  	_ =	strace s3  }
0x97: {  	_ =	strace $0x8FFFFFFF  }
0x98: {  	s19 =	sld [smem:$0x3FDB];
	_ =	sdelay $0x1  }
0x99: {  	s4 =	simm.s32 $_scs_section_size  }
0x9a: {  	s5 =	simm.s32 $_size__tile_overlayer_lowered;
	s6 =	simm.s32 $_tile_overlayer_lowered  }
0x9b: {  	s22 =	simm.s32 $0x1BFF;
	s21 =	sshll.u32 s6, $0x1;
	s3 =	sadd.s32 s4, s19  }
0x9c: {  	s7 =	simm.s32 $0x0;
	s20 =	sshll.u32 s5, $0x1;
	s5 =	sadd.s32 s21, s3  }
0x9d: {  	[timem:s7], [sflag:s22] =	dma.local [hbm:s5], s20  }
0x9e: {  	_ =	swait.ge [sflag:s22], s20  }
0x9f: {  	s4 =	ssub.s32 $0x0, s20;
	[sflag:s22] =	ssyncset.done $0x0  }
0xa0: {  	[sflag:s22] =	ssyncadd.s32 s4;
	_ =	sdelay $0x1  }
0xa1: {  	s23 =	simm.s32 $0x1B8B  }
0xa2: {  	_ =	swait.ge [sflag:s23], $0x1  }
0xa3: {  	[sflag:s23] =	ssyncset.done $0x0  }
0xa4: {  	s25 =	simm.s32 $0x1B8E;
	s24 =	sld [smem:$0x3FFE];
	[sflag:s23] =	ssyncadd.s32 $0xFFFFFFFF  }
0xa5: {  	s26 =	simm.s32 $execute0_lowered;
	[smem:$0x3FD2] =	sst s25  }
0xa6: {  	s5 =	sshll.u32 s26, $0x1;
	_ =	strace $0x80000046;
	[dreg:$0x1] =	wrdreg $0xFFFFFFFF  }
0xa7: {  	s28 =	simm.s32 $_size_execute0_lowered;
	s3 =	sadd.s32 s3, s5;
	[dreg:$0x0] =	wrdreg $0x0  }
0xa8: {  	s5 =	sshll.u32 s28, $0x1;
	[dreg:$0x2] =	wrdreg s3  }
0xa9: {  	[dreg:$0x3] =	wrdreg s5  }
0xaa: {  	[dreg:$0x4] =	wrdreg $0xC0  }
0xab: {  	_ =	task [dreg:s7], $0x5FFFF  }
0xac: {  	[dreg:$0x1] =	wrdreg $0xFFFFFFFF  }
0xad: {  	[dreg:$0x0] =	wrdreg $0x60  }
0xae: {  	[dreg:$0x2] =	wrdreg s24  }
0xaf: {  	[dreg:$0x3] =	wrdreg s2  }
0xb0: {  	[dreg:$0x4] =	wrdreg $0x9  }
0xb1: {  	_ =	task.clear_ibuf [dreg:s7], $0x5FFFF;
	_ =	strace $0x90000046  }
0xb2: {  	s29 =	simm.s32 $0x9;
	_ =	strace $0x80000048  }
0xb3: {  	_ =	swait.ge [sflag:s29], $0x1  }
0xb4: {  	[sflag:s29] =	ssyncadd.s32 $0xFFFFFFFF  }
0xb5: {  	_ =	strace $0x90000048  }
0xb6: {  	_ =	sfence  }
0xb7: {  	s30 =	sld [smem:$0x0];
	_ =	sdelay $0x2  }
0xb8: {  	s31 =	sshll.u32 s1, $0xD;
	s1 =	sshrl.u32 s1, $0x2  }
0xb9: {  	s3 =	sand.u32 $0x4000, s31;
	s1 =	sadd.s32 s1, s30  }
0xba: {  	s0 =	sor.u32 s3, s0;
	s1 =	sshll.u32 s1, $0x11  }
0xbb: {  	s0 =	sor.u32 s1, s0  }
0xbc: {  	s0 =	sadd.s32 $0x8F2B, s0  }
0xbd: {  	[sflag:s0] =	ssyncadd.remote.s32 $0x1  }
0xbe: {  	_ =	sfence.sel $0xFFFF  }
0xbf: {  	[dreg:$0x0] =	wrdreg $0xFFFFFFFF;
	(pc) =	sbr.abs _section_cstart, $3  }
0xc0: {  	[dreg:$0x1] =	wrdreg $0xFFFFFFFF  }
0xc1: {  	_ =	task.clear_ibuf [dreg:s7], $0x2FFFF;
	_ =	strace $0x9FFFFFFF  }
0xc2: {  	(tm) =	ssettm $0x7FFFFFFF  }
0xc3: {  	_ =	shalt  }
tec
execute0_lowered:
.L_overlay_start_1:
0x0: {  	(tag) =	ssettag $0x1  }
0x1: {  	s4 =	rddreg [dreg:$0x0]  }
0x2: {  	s1 =	srdreg.scid;
	s0 =	stileid.u32  }
0x3: {  	s6 =	rddreg [dreg:$0x1];
	s2 =	simm.s32 $0x0;
	s10 =	simm.s32 $0x48  }
0x4: {  	s11 =	simm.s32 $0x180;
	s12 =	simm.s32 $0x2580;
	s13 =	simm.s32 $0xD8  }
0x5: {  	s14 =	simm.s32 $0x6D80;
	s5 =	sand.u32 $0x1, s1;
	s3 =	sshll.u32 s0, $0x1  }
0x6: {  	s15 =	simm.s32 $0x1;
	s16 =	simm.s32 $0x9180;
	s7 =	sor.u32 s5, s3  }
0x7: {  	s17 =	simm.s32 $0x0;
	s1 =	rddreg [dreg:$0x2];
	s8 =	smul.u32 $0x90, s7  }
0x8: {  	[smem:$0x7FF] =	sst s2;
	s5 =	ssub.s32 $0x2, s5;
	s7 =	smul.u32 $0x240, s7  }
0x9: {  	_ =	strace $0x80000047;
	s3 =	sadd.s32 $0x1400, s4;
	s31 =	sshrl.u32 s5, $0x1  }
0xa: {  	s9 =	ssub.s32 s5, s31;
	s8 =	sshrl.u32 s8, $0x3;
	s6 =	sadd.s32 s6, s7  }
0xb: {  	s7 =	smax.u32 s9, $0x1;
	s9 =	simm.s32 $0x90;
	s8 =	sadd.s32 s8, s4  }
0xc: {  	s4 =	sadd.s32 $0xE00, s8;
	s5 =	sadd.s32 $0x1040, s8;
	s8 =	simm.s32 $0x2  }
.LBB2_1:
0xd: {  	[tilespmem:s2], [sflag:$0x2] =	stream.linear.gather [hbm4b:s4+s2], $0x90, $0x38;
	[tilespmem:$0xA380] =	vst v63  }
0xe: {  	_ =	swait.ge [sflag:s8], $0x90  }
0xf: {  	[sflag:s8] =	ssyncset.done $0x0  }
0x10: {  	[sflag:s8] =	ssyncadd.s32 $0xFFFFFF70  }
0x11: {  	[tilespmem:s9], [sflag:$0x2] =	stream.linear.gather [hbm4b:s5+s2], $0x90, $0x38;
	[tilespmem:$0xA380] =	vst v63  }
0x12: {  	_ =	swait.ge [sflag:s8], $0x90  }
0x13: {  	[sflag:s8] =	ssyncset.done $0x0  }
0x14: {  	[sflag:s8] =	ssyncadd.s32 $0xFFFFFF70  }
0x15: {  	[tilespmem:s11], [sflag:$0x1] =	stream.indirect.gather [hbm4b:s3+s10], $0x80, s2, s10, $0xb8;
	[tilespmem:$0xA380] =	vst v63  }
0x16: {  	_ = 	snop  }
0x17: {  	[tilespmem:s12], [sflag:$0x1] =	stream.indirect.gather [hbm4b:s3+s10], $0x80, s10, s10, $0xb8;
	[tilespmem:$0xA380] =	vst v63  }
0x18: {  	s18 =	simm.s32 $0x4980  }
0x19: {  	[tilespmem:s18], [sflag:$0x1] =	stream.indirect.gather [hbm4b:s3+s10], $0x80, s9, s10, $0xb8;
	[tilespmem:$0xA380] =	vst v63  }
0x1a: {  	_ = 	snop  }
0x1b: {  	[tilespmem:s14], [sflag:$0x1] =	stream.indirect.gather [hbm4b:s3+s10], $0x80, s13, s10, $0xb8;
	[tilespmem:$0xA380] =	vst v63  }
0x1c: {  	_ =	swait.ge [sflag:s15], $0x2400  }
0x1d: {  	[sflag:s15] =	ssyncset.done $0x0  }
0x1e: {  	[sflag:s15] =	ssyncadd.s32 $0xFFFFDC00  }
0x1f: {  	_ =	swait.ge [sflag:s15], $0x2400  }
0x20: {  	[sflag:s15] =	ssyncset.done $0x0  }
0x21: {  	[sflag:s15] =	ssyncadd.s32 $0xFFFFDC00  }
0x22: {  	_ =	swait.ge [sflag:s15], $0x2400  }
0x23: {  	[sflag:s15] =	ssyncset.done $0x0  }
0x24: {  	[sflag:s15] =	ssyncadd.s32 $0xFFFFDC00  }
0x25: {  	_ =	swait.ge [sflag:s15], $0x2400  }
0x26: {  	[sflag:s15] =	ssyncset.done $0x0  }
0x27: {  	[sflag:s15] =	ssyncadd.s32 $0xFFFFDC00  }
0x28: {  	v0 =	vld [tilespmem:s18+$0xFFFFB800]  }
0x29: {  	v1 =	vld [tilespmem:s18+$0x0];
	_ =	sdelay $0x4  }
0x2a: {  	v0 =	vadd.f32 v1, v0;
	_ =	sdelay $0x1  }
0x2b: {  	v0 =	vmul.f32 $5.000000000e-01, v0  }
0x2c: {  	s20 =	simm.s32 $0x0  }
0x2d: {  	[tilespmem:s20+$0x9180] =	vst v0  }
0x2e: {  	v0 =	vld [tilespmem:s18+$0xFFFFB810]  }
0x2f: {  	v1 =	vld [tilespmem:s18+$0x10];
	_ =	sdelay $0x4  }
0x30: {  	v0 =	vadd.f32 v1, v0;
	_ =	sdelay $0x1  }
0x31: {  	s19 =	simm.s32 $0x80;
	v0 =	vmul.f32 $5.000000000e-01, v0  }
.LBB2_2:
0x32: {  	p0 =	sne.s32 s19, $0x4780  }
0x33: {  	s18 =	sadd.s32 $0x80, s18;
	s21 =	smov.u32 s19;
	s19 =	sadd.s32 $0x80, s19  }
0x34: {  	[tilespmem:s20+$0x9190] =	vst v0  }
0x35: {  	v0 =	vld [tilespmem:s18+$0xFFFFB800]  }
0x36: {  	v1 =	vld [tilespmem:s18+$0x0];
	_ =	sdelay $0x4  }
0x37: {  	v0 =	vadd.f32 v1, v0;
	_ =	sdelay $0x1  }
0x38: {  	v0 =	vmul.f32 $5.000000000e-01, v0  }
0x39: {  	s20 =	sshra.s32 s21, $0x2  }
0x3a: {  	[tilespmem:s20+$0x9180] =	vst v0  }
0x3b: {  	v0 =	vld [tilespmem:s18+$0xFFFFB810]  }
0x3c: {  	v1 =	vld [tilespmem:s18+$0x10];
	_ =	sdelay $0x2  }
.Ltmp0:
0x3d: {  	(pc) =	sbr.rel @p0 .LBB2_2-.Ltmp0, $3  }
0x3e: {  	_ = 	snop  }
0x3f: {  	v0 =	vadd.f32 v1, v0;
	_ =	sdelay $0x1  }
0x40: {  	v0 =	vmul.f32 $5.000000000e-01, v0  }
0x41: {  	s17 =	sadd.s32 $0x1, s17  }
0x42: {  	p0 =	sne.s32 s17, s7  }
.Ltmp1:
0x43: {  	[tilespmem:s20+$0x9190] =	vst v0;
	(pc) =	sbr.rel @p0 .LBB2_1-.Ltmp1, $4  }
0x44: {  	[hbm4b:s6+s2] =	stream.linear.scatter [tilespmem:s16], [sflag:$0x2], $0x1200, $0x38;
	[tilespmem:$0xA380] =	vst v63  }
0x45: {  	_ =	swait.ge [sflag:s8], $0x1200  }
0x46: {  	[sflag:s8] =	ssyncset.done $0x0  }
0x47: {  	[sflag:s8] =	ssyncadd.s32 $0xFFFFEE00  }
0x48: {  	_ =	sfence.sel $0x180000  }
0x49: {  	[bflag:$0x0] =	sbarrier.arrive $0xFFFF  }
0x4a: {  	p0 =	sne.s32 s0, $0x0;
	_ =	strace $0x90000047  }
0x4b: {  	s0 =	sadd.s32 @!p0 $0x100000, s1;
	[bflag:$0x2] =	sbarrier.arrive $0xFFFF  }
0x4c: {  	[sflag:s0] =	ssyncadd.tile.s32 @!p0 $0x1;
	_ =	shalt  }
.Lfunc_end2:
_tile_overlayer_lowered:
.L_overlay_start_2:
0x4d: {  	(tag) =	ssettag $0x2  }
0x4e: {  	s0 =	rddreg [dreg:$0x0];
	s2 =	stileid.u32  }
0x4f: {  	s1 =	rddreg [dreg:$0x1];
	p0 =	sne.s32 s2, $0x0  }
0x50: {  	s3 =	rddreg [dreg:$0x2];
	[bflag:$0x3] =	sbarrier.arrive $0xFFFF;
	s2 =	simm.s32 @!p0 $0x1C02  }
0x51: {  	[timem:s3], [sflag:s2] =	dma.local @!p0 [hbm:s0], s1  }
0x52: {  	s0 =	simm.s32 @!p0 $0x2  }
0x53: {  	_ =	swait.ge @!p0 [sflag:s0], s1  }
0x54: {  	s1 =	ssub.s32 @!p0 $0x0, s1;
	[sflag:s0] =	ssyncset.done @!p0 $0x0  }
0x55: {  	[sflag:s0] =	ssyncadd.s32 @!p0 s1  }
0x56: {  	[bflag:$0x3] =	sbarrier.arrive $0xFFFF  }
0x57: {  	_ =	shalt  }

</sc_bundles>
